<compile_context>
chip_gen: v7x
topology: tpu7x:2x2x1
jax: 0.10.2.dev20260603
libtpu: 0.0.44.dev20260713+nightly
codegen_flags: <defaults>
</compile_context>

<pallas_src>
import functools

import jax
import jax.numpy as jnp
from jax import lax
from jax.experimental import pallas as pl
from jax.experimental.pallas import tpu as pltpu
from jax.experimental.pallas import tpu_sc as plsc

D = 64
B = 16384
NC = 1000000
CBLK = 32768
NBLK = (NC + CBLK - 1) // CBLK
GROWS = NBLK * (CBLK // 4)
MBLK = 2048
MASK16 = -65536


def _round_bf16_bits(x):
    bits = lax.bitcast_convert_type(x, jnp.int32)
    rne = lax.add(
        lax.add(bits, jnp.int32(0x7FFF)),
        lax.bitwise_and(lax.shift_right_logical(bits, 16), jnp.int32(1)),
    )
    return lax.bitwise_and(rne, jnp.int32(MASK16))


def _tc_table_w1(table_t, w1cat):
    q = CBLK // 4

    def body(t_ref, w_ref, o_ref):
        t = t_ref[...].astype(jnp.bfloat16)
        w = w_ref[...]
        dn = (((0,), (0,)), ((), ()))
        ta = jnp.concatenate([t[:, :q], t[:, q : 2 * q]], axis=0)
        tb = jnp.concatenate([t[:, 2 * q : 3 * q], t[:, 3 * q :]], axis=0)
        a = lax.dot_general(ta, w, dn, preferred_element_type=jnp.float32)
        b = lax.dot_general(tb, w, dn, preferred_element_type=jnp.float32)
        packed = lax.bitwise_or(
            lax.shift_right_logical(_round_bf16_bits(a), 16),
            _round_bf16_bits(b),
        )
        o_ref[...] = lax.bitcast_convert_type(packed, jnp.float32)

    return pl.pallas_call(
        body,
        grid=(NBLK,),
        compiler_params=pltpu.CompilerParams(vmem_limit_bytes=100 * 1024 * 1024),
        in_specs=[
            pl.BlockSpec((D, CBLK), lambda i: (0, i)),
            pl.BlockSpec((2 * D, 2 * D), lambda i: (0, 0)),
        ],
        out_specs=pl.BlockSpec((CBLK // 4, 2 * D), lambda i: (i, 0)),
        out_shape=jax.ShapeDtypeStruct((GROWS, 2 * D), jnp.float32),
    )(table_t, w1cat)


def _sc_gather(g, idx):
    info = plsc.get_sparse_core_info()
    nw = info.num_cores * info.num_subcores
    b_per_w = B // nw
    K = 16
    inner = 16
    outer = b_per_w // (inner * K)
    mesh = plsc.VectorSubcoreMesh(core_axis_name="c", subcore_axis_name="s")

    @functools.partial(
        pl.kernel,
        mesh=mesh,
        out_type=jax.ShapeDtypeStruct((B, 2 * D), jnp.float32),
        scratch_types=[
            pltpu.VMEM((b_per_w,), jnp.int32),
            pltpu.VMEM((b_per_w, 2 * D), jnp.float32),
            pltpu.SemaphoreType.DMA,
        ],
    )
    def k(g_hbm, idx_hbm, out_hbm, idx_v, rows_v, sem):
        wid = lax.axis_index("s") * info.num_cores + lax.axis_index("c")
        base = wid * b_per_w
        pltpu.sync_copy(idx_hbm.at[pl.ds(base, b_per_w)], idx_v)

        def chunk(ci, carry):
            cbase = ci * inner * K
            copies = []
            for j in range(inner):
                vec = idx_v[pl.ds(cbase + j * K, K)]
                row = ((vec >> 15) << 13) | (vec & 8191)
                copies.append(
                    pltpu.async_copy(
                        g_hbm.at[row],
                        rows_v.at[pl.ds(cbase + j * K, K)],
                        sem,
                    )
                )
            for cp in copies:
                cp.wait()
            return carry

        lax.fori_loop(0, outer, chunk, 0)
        pltpu.sync_copy(rows_v, out_hbm.at[pl.ds(base, b_per_w)])

    return k(g, idx.reshape(B))


def _tc_mlp(p, c1, b1, W2, b2):
    def body(p_ref, c_ref, b1_ref, w2_ref, b2_ref, o_ref):
        bits = lax.bitcast_convert_type(p_ref[...], jnp.int32)
        cv = lax.transpose(c_ref[...], (1, 0))
        hw = ((cv >> 14) & 1) == 1
        lh = ((cv >> 13) & 1) == 1
        vbits = jnp.where(
            hw, lax.bitwise_and(bits, jnp.int32(MASK16)), lax.shift_left(bits, 16)
        )
        v = lax.bitcast_convert_type(vbits, jnp.float32)
        sel = jnp.where(lh, v[:, D:], v[:, :D])
        h = sel + b1_ref[...]
        h = h * jax.nn.sigmoid(h)
        o = lax.dot_general(
            w2_ref[...], h, (((0,), (1,)), ((), ())),
            preferred_element_type=jnp.float32,
        )
        o_ref[...] = o + b2_ref[...]

    return pl.pallas_call(
        body,
        grid=(B // MBLK,),
        in_specs=[
            pl.BlockSpec((MBLK, 2 * D), lambda i: (i, 0)),
            pl.BlockSpec((1, MBLK), lambda i: (0, i)),
            pl.BlockSpec((1, D), lambda i: (0, 0)),
            pl.BlockSpec((D, D), lambda i: (0, 0)),
            pl.BlockSpec((D, 1), lambda i: (0, 0)),
        ],
        out_specs=pl.BlockSpec((D, MBLK), lambda i: (0, i)),
        out_shape=jax.ShapeDtypeStruct((D, B), jnp.float32),
    )(p, c1, b1.reshape(1, D), W2, b2.reshape(D, 1))


def kernel(c, emb_table, W1, b1, W2, b2):
    zeros = jnp.zeros((D, D), jnp.float32)
    w1cat = jnp.concatenate(
        [jnp.concatenate([W1, zeros], axis=1),
         jnp.concatenate([zeros, W1], axis=1)], axis=0
    ).astype(jnp.bfloat16)
    g = _tc_table_w1(emb_table.T, w1cat)
    p = _sc_gather(g, c)
    return _tc_mlp(p, c.reshape(1, B), b1, W2, b2).T

# --- scband reference (transcript-rebuilt; emitter-appended) ---
"""Pipeline reference for scband-class-embedding-17927193493513 (READ-ONLY COPY).

The authoritative reference and input builder live on the scoring server;
editing this copy changes nothing except your own understanding.
"""

import jax, jax.numpy as jnp
import numpy as np

NUM_CLASSES = 1000000
D_MODEL = 64
DIM = 64
BATCH = 16384


def setup_inputs(seed: int = 0) -> dict:
    key = jax.random.key(seed)
    k_c, k_emb, k_w1, k_b1, k_w2, k_b2 = jax.random.split(key, 6)
    c = jax.random.randint(k_c, (BATCH,), 0, NUM_CLASSES, dtype=jnp.int64 if jax.config.jax_enable_x64 else jnp.int32).astype(jnp.int32)
    emb_table = jax.random.normal(k_emb, (NUM_CLASSES, D_MODEL), dtype=jnp.float32)
    # torch nn.Linear init scale ~ 1/sqrt(fan_in)
    s1 = 1.0 / np.sqrt(D_MODEL)
    W1 = jax.random.uniform(k_w1, (D_MODEL, DIM), minval=-s1, maxval=s1, dtype=jnp.float32)
    b1 = jax.random.uniform(k_b1, (DIM,), minval=-s1, maxval=s1, dtype=jnp.float32)
    s2 = 1.0 / np.sqrt(DIM)
    W2 = jax.random.uniform(k_w2, (DIM, DIM), minval=-s2, maxval=s2, dtype=jnp.float32)
    b2 = jax.random.uniform(k_b2, (DIM,), minval=-s2, maxval=s2, dtype=jnp.float32)
    return {"c": c, "emb_table": emb_table, "W1": W1, "b1": b1, "W2": W2, "b2": b2}


def reference(c, emb_table, W1, b1, W2, b2):
    # nn.Embedding lookup
    emb = jnp.take(emb_table, c, axis=0)
    # Linear(d_model, dim)
    h = emb @ W1 + b1
    # Swish: x * sigmoid(x)
    h = h * jax.nn.sigmoid(h)
    # Linear(dim, dim)
    out = h @ W2 + b2
    return out

if __name__ == "__main__":
    import jax
    _d = setup_inputs()
    print(jax.jit(kernel)(*tuple(_d.values())))

</pallas_src>

<mosaic_0001>
#map = affine_map<(d0, d1) -> (0, 0)>
#map1 = affine_map<(d0, d1) -> (0)>
module attributes {stable_mosaic.version = 14 : i64} {
  func.func @k(%arg0: i32, %arg1: i32, %arg2: memref<253952x128xf32, #tpu.memory_space<hbm>>, %arg3: memref<16384xi32, #tpu.memory_space<hbm>>, %arg4: memref<16384x128xf32, #tpu.memory_space<hbm>>, %arg5: memref<512xi32, #tpu.memory_space<vmem>>, %arg6: memref<512x128xf32, #tpu.memory_space<vmem>>, %arg7: memref<!tpu.dma_semaphore, #tpu.memory_space<semaphore_mem>>) attributes {dimension_semantics = [#tpu.dimension_semantics<core_parallel>, #tpu.dimension_semantics<subcore_parallel>], iteration_bounds = array<i64: 2, 16>, scalar_prefetch = 0 : i64, scratch_operands = 3 : i64, tpu.core_type = #tpu.core_type<sc_vector_subcore>, window_params = [{transform_indices = #map}, {transform_indices = #map1}, {transform_indices = #map}]} {
    %mul3A = arith.constant 2 : i32
    %mul3A_0 = arith.muli %arg1, %mul3A : i32
    %add3A = arith.addi %mul3A_0, %arg0 : i32
    %mul3A_1 = arith.constant 512 : i32
    %mul3A_2 = arith.muli %add3A, %mul3A_1 : i32
    "tpu.region"() ({
      %run_scoped3A = tpu.sem_alloc : memref<!tpu.dma_semaphore, #tpu.memory_space<semaphore_mem>>
      %dma_start3A = tpu.memref_slice %arg3[%mul3A_2] : memref<16384xi32, #tpu.memory_space<hbm>> -> memref<512xi32, #tpu.memory_space<hbm>>
      %dma_start3A_8 = tpu.memref_slice %arg3[%mul3A_2] : memref<16384xi32, #tpu.memory_space<hbm>> -> memref<512xi32, #tpu.memory_space<hbm>>
      tpu.enqueue_dma source(%dma_start3A_8 : memref<512xi32, #tpu.memory_space<hbm>>) target(%arg5 : memref<512xi32, #tpu.memory_space<vmem>>) target_semaphore(%run_scoped3A : memref<!tpu.dma_semaphore, #tpu.memory_space<semaphore_mem>>)
      %dma_wait3A = tpu.memref_slice %arg3[%mul3A_2] : memref<16384xi32, #tpu.memory_space<hbm>> -> memref<512xi32, #tpu.memory_space<hbm>>
      %dma_wait3A_9 = tpu.memref_slice %arg3[%mul3A_2] : memref<16384xi32, #tpu.memory_space<hbm>> -> memref<512xi32, #tpu.memory_space<hbm>>
      tpu.wait_dma2 semaphore(%run_scoped3A : memref<!tpu.dma_semaphore, #tpu.memory_space<semaphore_mem>>) src(%dma_wait3A_9 : memref<512xi32, #tpu.memory_space<hbm>>) dst(%arg5 : memref<512xi32, #tpu.memory_space<vmem>>)
      tpu.yield
    }) : () -> ()
    %scan3A = arith.constant 0 : i32
    %scan3A_3 = arith.constant 0 : i32
    %scan3A_4 = arith.constant 2 : i32
    %scan3A_5 = arith.addi %scan3A_3, %scan3A_4 : i32
    %scan3A_6 = arith.constant 1 : i32
    scf.for %scan3A_8 = %scan3A_3 to %scan3A_5 step %scan3A_6  : i32 {
      %mul3A_9 = arith.constant 16 : i32
      %mul3A_10 = arith.muli %scan3A_8, %mul3A_9 : i32
      %mul3A_11 = arith.constant 16 : i32
      %mul3A_12 = arith.muli %mul3A_10, %mul3A_11 : i32
      %add3A_13 = arith.constant 0 : i32
      %add3A_14 = arith.addi %mul3A_12, %add3A_13 : i32
      %get3A = arith.index_cast %add3A_14 : i32 to index
      %get3A_15 = tpu.vector_load %arg5[%get3A] {strides = array<i32>} : memref<512xi32, #tpu.memory_space<vmem>>, vector<16xi32>,
      %get3A_16 = vector.shape_cast %get3A_15 : vector<16xi32> to vector<16xi32>
      %shift_right_arithmetic3A = arith.constant 15 : i32
      %shift_right_arithmetic3A_17 = vector.broadcast %shift_right_arithmetic3A : i32 to vector<16xi32>
      %shift_right_arithmetic3A_18 = arith.shrsi %get3A_16, %shift_right_arithmetic3A_17 : vector<16xi32>
      %shift_left3A = arith.constant 13 : i32
      %shift_left3A_19 = vector.broadcast %shift_left3A : i32 to vector<16xi32>
      %shift_left3A_20 = arith.shli %shift_right_arithmetic3A_18, %shift_left3A_19 : vector<16xi32>
      %and3A = arith.constant 8191 : i32
      %and3A_21 = vector.broadcast %and3A : i32 to vector<16xi32>
      %and3A_22 = arith.andi %get3A_16, %and3A_21 : vector<16xi32>
      %or3A = arith.ori %shift_left3A_20, %and3A_22 : vector<16xi32>
      %add3A_23 = arith.constant 0 : i32
      %add3A_24 = arith.addi %mul3A_12, %add3A_23 : i32
      %dma_start3A = arith.constant 0 : i32
      %dma_start3A_25 = tpu.memref_slice %arg6[%add3A_24, %dma_start3A] : memref<512x128xf32, #tpu.memory_space<vmem>> -> memref<16x128xf32, #tpu.memory_space<vmem>>
      %dma_start3A_26 = arith.constant 0 : i32
      %dma_start3A_27 = arith.constant 0 : i32
      %dma_start3A_28 = tpu.memref_slice %arg2[%dma_start3A_26, %dma_start3A_27] : memref<253952x128xf32, #tpu.memory_space<hbm>> -> memref<253952x128xf32, #tpu.memory_space<hbm>>
      tpu.enqueue_indirect_dma source(%dma_start3A_28 : memref<253952x128xf32, #tpu.memory_space<hbm>>) target(%dma_start3A_25 : memref<16x128xf32, #tpu.memory_space<vmem>>) offsets(%or3A : vector<16xi32>) semaphore(%arg7 : memref<!tpu.dma_semaphore, #tpu.memory_space<semaphore_mem>>)
      %add3A_29 = arith.constant 16 : i32
      %add3A_30 = arith.addi %mul3A_12, %add3A_29 : i32
      %get3A_31 = arith.index_cast %add3A_30 : i32 to index
      %get3A_32 = tpu.vector_load %arg5[%get3A_31] {strides = array<i32>} : memref<512xi32, #tpu.memory_space<vmem>>, vector<16xi32>,
      %get3A_33 = vector.shape_cast %get3A_32 : vector<16xi32> to vector<16xi32>
      %shift_right_arithmetic3A_34 = arith.constant 15 : i32
      %shift_right_arithmetic3A_35 = vector.broadcast %shift_right_arithmetic3A_34 : i32 to vector<16xi32>
      %shift_right_arithmetic3A_36 = arith.shrsi %get3A_33, %shift_right_arithmetic3A_35 : vector<16xi32>
      %shift_left3A_37 = arith.constant 13 : i32
      %shift_left3A_38 = vector.broadcast %shift_left3A_37 : i32 to vector<16xi32>
      %shift_left3A_39 = arith.shli %shift_right_arithmetic3A_36, %shift_left3A_38 : vector<16xi32>
      %and3A_40 = arith.constant 8191 : i32
      %and3A_41 = vector.broadcast %and3A_40 : i32 to vector<16xi32>
      %and3A_42 = arith.andi %get3A_33, %and3A_41 : vector<16xi32>
      %or3A_43 = arith.ori %shift_left3A_39, %and3A_42 : vector<16xi32>
      %add3A_44 = arith.constant 16 : i32
      %add3A_45 = arith.addi %mul3A_12, %add3A_44 : i32
      %dma_start3A_46 = arith.constant 0 : i32
      %dma_start3A_47 = tpu.memref_slice %arg6[%add3A_45, %dma_start3A_46] : memref<512x128xf32, #tpu.memory_space<vmem>> -> memref<16x128xf32, #tpu.memory_space<vmem>>
      %dma_start3A_48 = arith.constant 0 : i32
      %dma_start3A_49 = arith.constant 0 : i32
      %dma_start3A_50 = tpu.memref_slice %arg2[%dma_start3A_48, %dma_start3A_49] : memref<253952x128xf32, #tpu.memory_space<hbm>> -> memref<253952x128xf32, #tpu.memory_space<hbm>>
      tpu.enqueue_indirect_dma source(%dma_start3A_50 : memref<253952x128xf32, #tpu.memory_space<hbm>>) target(%dma_start3A_47 : memref<16x128xf32, #tpu.memory_space<vmem>>) offsets(%or3A_43 : vector<16xi32>) semaphore(%arg7 : memref<!tpu.dma_semaphore, #tpu.memory_space<semaphore_mem>>)
      %add3A_51 = arith.constant 32 : i32
      %add3A_52 = arith.addi %mul3A_12, %add3A_51 : i32
      %get3A_53 = arith.index_cast %add3A_52 : i32 to index
      %get3A_54 = tpu.vector_load %arg5[%get3A_53] {strides = array<i32>} : memref<512xi32, #tpu.memory_space<vmem>>, vector<16xi32>,
      %get3A_55 = vector.shape_cast %get3A_54 : vector<16xi32> to vector<16xi32>
      %shift_right_arithmetic3A_56 = arith.constant 15 : i32
      %shift_right_arithmetic3A_57 = vector.broadcast %shift_right_arithmetic3A_56 : i32 to vector<16xi32>
      %shift_right_arithmetic3A_58 = arith.shrsi %get3A_55, %shift_right_arithmetic3A_57 : vector<16xi32>
      %shift_left3A_59 = arith.constant 13 : i32
      %shift_left3A_60 = vector.broadcast %shift_left3A_59 : i32 to vector<16xi32>
      %shift_left3A_61 = arith.shli %shift_right_arithmetic3A_58, %shift_left3A_60 : vector<16xi32>
      %and3A_62 = arith.constant 8191 : i32
      %and3A_63 = vector.broadcast %and3A_62 : i32 to vector<16xi32>
      %and3A_64 = arith.andi %get3A_55, %and3A_63 : vector<16xi32>
      %or3A_65 = arith.ori %shift_left3A_61, %and3A_64 : vector<16xi32>
      %add3A_66 = arith.constant 32 : i32
      %add3A_67 = arith.addi %mul3A_12, %add3A_66 : i32
      %dma_start3A_68 = arith.constant 0 : i32
      %dma_start3A_69 = tpu.memref_slice %arg6[%add3A_67, %dma_start3A_68] : memref<512x128xf32, #tpu.memory_space<vmem>> -> memref<16x128xf32, #tpu.memory_space<vmem>>
      %dma_start3A_70 = arith.constant 0 : i32
      %dma_start3A_71 = arith.constant 0 : i32
      %dma_start3A_72 = tpu.memref_slice %arg2[%dma_start3A_70, %dma_start3A_71] : memref<253952x128xf32, #tpu.memory_space<hbm>> -> memref<253952x128xf32, #tpu.memory_space<hbm>>
      tpu.enqueue_indirect_dma source(%dma_start3A_72 : memref<253952x128xf32, #tpu.memory_space<hbm>>) target(%dma_start3A_69 : memref<16x128xf32, #tpu.memory_space<vmem>>) offsets(%or3A_65 : vector<16xi32>) semaphore(%arg7 : memref<!tpu.dma_semaphore, #tpu.memory_space<semaphore_mem>>)
      %add3A_73 = arith.constant 48 : i32
      %add3A_74 = arith.addi %mul3A_12, %add3A_73 : i32
      %get3A_75 = arith.index_cast %add3A_74 : i32 to index
      %get3A_76 = tpu.vector_load %arg5[%get3A_75] {strides = array<i32>} : memref<512xi32, #tpu.memory_space<vmem>>, vector<16xi32>,
      %get3A_77 = vector.shape_cast %get3A_76 : vector<16xi32> to vector<16xi32>
      %shift_right_arithmetic3A_78 = arith.constant 15 : i32
      %shift_right_arithmetic3A_79 = vector.broadcast %shift_right_arithmetic3A_78 : i32 to vector<16xi32>
      %shift_right_arithmetic3A_80 = arith.shrsi %get3A_77, %shift_right_arithmetic3A_79 : vector<16xi32>
      %shift_left3A_81 = arith.constant 13 : i32
      %shift_left3A_82 = vector.broadcast %shift_left3A_81 : i32 to vector<16xi32>
      %shift_left3A_83 = arith.shli %shift_right_arithmetic3A_80, %shift_left3A_82 : vector<16xi32>
      %and3A_84 = arith.constant 8191 : i32
      %and3A_85 = vector.broadcast %and3A_84 : i32 to vector<16xi32>
      %and3A_86 = arith.andi %get3A_77, %and3A_85 : vector<16xi32>
      %or3A_87 = arith.ori %shift_left3A_83, %and3A_86 : vector<16xi32>
      %add3A_88 = arith.constant 48 : i32
      %add3A_89 = arith.addi %mul3A_12, %add3A_88 : i32
      %dma_start3A_90 = arith.constant 0 : i32
      %dma_start3A_91 = tpu.memref_slice %arg6[%add3A_89, %dma_start3A_90] : memref<512x128xf32, #tpu.memory_space<vmem>> -> memref<16x128xf32, #tpu.memory_space<vmem>>
      %dma_start3A_92 = arith.constant 0 : i32
      %dma_start3A_93 = arith.constant 0 : i32
      %dma_start3A_94 = tpu.memref_slice %arg2[%dma_start3A_92, %dma_start3A_93] : memref<253952x128xf32, #tpu.memory_space<hbm>> -> memref<253952x128xf32, #tpu.memory_space<hbm>>
      tpu.enqueue_indirect_dma source(%dma_start3A_94 : memref<253952x128xf32, #tpu.memory_space<hbm>>) target(%dma_start3A_91 : memref<16x128xf32, #tpu.memory_space<vmem>>) offsets(%or3A_87 : vector<16xi32>) semaphore(%arg7 : memref<!tpu.dma_semaphore, #tpu.memory_space<semaphore_mem>>)
      %add3A_95 = arith.constant 64 : i32
      %add3A_96 = arith.addi %mul3A_12, %add3A_95 : i32
      %get3A_97 = arith.index_cast %add3A_96 : i32 to index
      %get3A_98 = tpu.vector_load %arg5[%get3A_97] {strides = array<i32>} : memref<512xi32, #tpu.memory_space<vmem>>, vector<16xi32>,
      %get3A_99 = vector.shape_cast %get3A_98 : vector<16xi32> to vector<16xi32>
      %shift_right_arithmetic3A_100 = arith.constant 15 : i32
      %shift_right_arithmetic3A_101 = vector.broadcast %shift_right_arithmetic3A_100 : i32 to vector<16xi32>
      %shift_right_arithmetic3A_102 = arith.shrsi %get3A_99, %shift_right_arithmetic3A_101 : vector<16xi32>
      %shift_left3A_103 = arith.constant 13 : i32
      %shift_left3A_104 = vector.broadcast %shift_left3A_103 : i32 to vector<16xi32>
      %shift_left3A_105 = arith.shli %shift_right_arithmetic3A_102, %shift_left3A_104 : vector<16xi32>
      %and3A_106 = arith.constant 8191 : i32
      %and3A_107 = vector.broadcast %and3A_106 : i32 to vector<16xi32>
      %and3A_108 = arith.andi %get3A_99, %and3A_107 : vector<16xi32>
      %or3A_109 = arith.ori %shift_left3A_105, %and3A_108 : vector<16xi32>
      %add3A_110 = arith.constant 64 : i32
      %add3A_111 = arith.addi %mul3A_12, %add3A_110 : i32
      %dma_start3A_112 = arith.constant 0 : i32
      %dma_start3A_113 = tpu.memref_slice %arg6[%add3A_111, %dma_start3A_112] : memref<512x128xf32, #tpu.memory_space<vmem>> -> memref<16x128xf32, #tpu.memory_space<vmem>>
      %dma_start3A_114 = arith.constant 0 : i32
      %dma_start3A_115 = arith.constant 0 : i32
      %dma_start3A_116 = tpu.memref_slice %arg2[%dma_start3A_114, %dma_start3A_115] : memref<253952x128xf32, #tpu.memory_space<hbm>> -> memref<253952x128xf32, #tpu.memory_space<hbm>>
      tpu.enqueue_indirect_dma source(%dma_start3A_116 : memref<253952x128xf32, #tpu.memory_space<hbm>>) target(%dma_start3A_113 : memref<16x128xf32, #tpu.memory_space<vmem>>) offsets(%or3A_109 : vector<16xi32>) semaphore(%arg7 : memref<!tpu.dma_semaphore, #tpu.memory_space<semaphore_mem>>)
      %add3A_117 = arith.constant 80 : i32
      %add3A_118 = arith.addi %mul3A_12, %add3A_117 : i32
      %get3A_119 = arith.index_cast %add3A_118 : i32 to index
      %get3A_120 = tpu.vector_load %arg5[%get3A_119] {strides = array<i32>} : memref<512xi32, #tpu.memory_space<vmem>>, vector<16xi32>,
      %get3A_121 = vector.shape_cast %get3A_120 : vector<16xi32> to vector<16xi32>
      %shift_right_arithmetic3A_122 = arith.constant 15 : i32
      %shift_right_arithmetic3A_123 = vector.broadcast %shift_right_arithmetic3A_122 : i32 to vector<16xi32>
      %shift_right_arithmetic3A_124 = arith.shrsi %get3A_121, %shift_right_arithmetic3A_123 : vector<16xi32>
      %shift_left3A_125 = arith.constant 13 : i32
      %shift_left3A_126 = vector.broadcast %shift_left3A_125 : i32 to vector<16xi32>
      %shift_left3A_127 = arith.shli %shift_right_arithmetic3A_124, %shift_left3A_126 : vector<16xi32>
      %and3A_128 = arith.constant 8191 : i32
      %and3A_129 = vector.broadcast %and3A_128 : i32 to vector<16xi32>
      %and3A_130 = arith.andi %get3A_121, %and3A_129 : vector<16xi32>
      %or3A_131 = arith.ori %shift_left3A_127, %and3A_130 : vector<16xi32>
      %add3A_132 = arith.constant 80 : i32
      %add3A_133 = arith.addi %mul3A_12, %add3A_132 : i32
      %dma_start3A_134 = arith.constant 0 : i32
      %dma_start3A_135 = tpu.memref_slice %arg6[%add3A_133, %dma_start3A_134] : memref<512x128xf32, #tpu.memory_space<vmem>> -> memref<16x128xf32, #tpu.memory_space<vmem>>
      %dma_start3A_136 = arith.constant 0 : i32
      %dma_start3A_137 = arith.constant 0 : i32
      %dma_start3A_138 = tpu.memref_slice %arg2[%dma_start3A_136, %dma_start3A_137] : memref<253952x128xf32, #tpu.memory_space<hbm>> -> memref<253952x128xf32, #tpu.memory_space<hbm>>
      tpu.enqueue_indirect_dma source(%dma_start3A_138 : memref<253952x128xf32, #tpu.memory_space<hbm>>) target(%dma_start3A_135 : memref<16x128xf32, #tpu.memory_space<vmem>>) offsets(%or3A_131 : vector<16xi32>) semaphore(%arg7 : memref<!tpu.dma_semaphore, #tpu.memory_space<semaphore_mem>>)
      %add3A_139 = arith.constant 96 : i32
      %add3A_140 = arith.addi %mul3A_12, %add3A_139 : i32
      %get3A_141 = arith.index_cast %add3A_140 : i32 to index
      %get3A_142 = tpu.vector_load %arg5[%get3A_141] {strides = array<i32>} : memref<512xi32, #tpu.memory_space<vmem>>, vector<16xi32>,
      %get3A_143 = vector.shape_cast %get3A_142 : vector<16xi32> to vector<16xi32>
      %shift_right_arithmetic3A_144 = arith.constant 15 : i32
      %shift_right_arithmetic3A_145 = vector.broadcast %shift_right_arithmetic3A_144 : i32 to vector<16xi32>
      %shift_right_arithmetic3A_146 = arith.shrsi %get3A_143, %shift_right_arithmetic3A_145 : vector<16xi32>
      %shift_left3A_147 = arith.constant 13 : i32
      %shift_left3A_148 = vector.broadcast %shift_left3A_147 : i32 to vector<16xi32>
      %shift_left3A_149 = arith.shli %shift_right_arithmetic3A_146, %shift_left3A_148 : vector<16xi32>
      %and3A_150 = arith.constant 8191 : i32
      %and3A_151 = vector.broadcast %and3A_150 : i32 to vector<16xi32>
      %and3A_152 = arith.andi %get3A_143, %and3A_151 : vector<16xi32>
      %or3A_153 = arith.ori %shift_left3A_149, %and3A_152 : vector<16xi32>
      %add3A_154 = arith.constant 96 : i32
      %add3A_155 = arith.addi %mul3A_12, %add3A_154 : i32
      %dma_start3A_156 = arith.constant 0 : i32
      %dma_start3A_157 = tpu.memref_slice %arg6[%add3A_155, %dma_start3A_156] : memref<512x128xf32, #tpu.memory_space<vmem>> -> memref<16x128xf32, #tpu.memory_space<vmem>>
      %dma_start3A_158 = arith.constant 0 : i32
      %dma_start3A_159 = arith.constant 0 : i32
      %dma_start3A_160 = tpu.memref_slice %arg2[%dma_start3A_158, %dma_start3A_159] : memref<253952x128xf32, #tpu.memory_space<hbm>> -> memref<253952x128xf32, #tpu.memory_space<hbm>>
      tpu.enqueue_indirect_dma source(%dma_start3A_160 : memref<253952x128xf32, #tpu.memory_space<hbm>>) target(%dma_start3A_157 : memref<16x128xf32, #tpu.memory_space<vmem>>) offsets(%or3A_153 : vector<16xi32>) semaphore(%arg7 : memref<!tpu.dma_semaphore, #tpu.memory_space<semaphore_mem>>)
      %add3A_161 = arith.constant 112 : i32
      %add3A_162 = arith.addi %mul3A_12, %add3A_161 : i32
      %get3A_163 = arith.index_cast %add3A_162 : i32 to index
      %get3A_164 = tpu.vector_load %arg5[%get3A_163] {strides = array<i32>} : memref<512xi32, #tpu.memory_space<vmem>>, vector<16xi32>,
      %get3A_165 = vector.shape_cast %get3A_164 : vector<16xi32> to vector<16xi32>
      %shift_right_arithmetic3A_166 = arith.constant 15 : i32
      %shift_right_arithmetic3A_167 = vector.broadcast %shift_right_arithmetic3A_166 : i32 to vector<16xi32>
      %shift_right_arithmetic3A_168 = arith.shrsi %get3A_165, %shift_right_arithmetic3A_167 : vector<16xi32>
      %shift_left3A_169 = arith.constant 13 : i32
      %shift_left3A_170 = vector.broadcast %shift_left3A_169 : i32 to vector<16xi32>
      %shift_left3A_171 = arith.shli %shift_right_arithmetic3A_168, %shift_left3A_170 : vector<16xi32>
      %and3A_172 = arith.constant 8191 : i32
      %and3A_173 = vector.broadcast %and3A_172 : i32 to vector<16xi32>
      %and3A_174 = arith.andi %get3A_165, %and3A_173 : vector<16xi32>
      %or3A_175 = arith.ori %shift_left3A_171, %and3A_174 : vector<16xi32>
      %add3A_176 = arith.constant 112 : i32
      %add3A_177 = arith.addi %mul3A_12, %add3A_176 : i32
      %dma_start3A_178 = arith.constant 0 : i32
      %dma_start3A_179 = tpu.memref_slice %arg6[%add3A_177, %dma_start3A_178] : memref<512x128xf32, #tpu.memory_space<vmem>> -> memref<16x128xf32, #tpu.memory_space<vmem>>
      %dma_start3A_180 = arith.constant 0 : i32
      %dma_start3A_181 = arith.constant 0 : i32
      %dma_start3A_182 = tpu.memref_slice %arg2[%dma_start3A_180, %dma_start3A_181] : memref<253952x128xf32, #tpu.memory_space<hbm>> -> memref<253952x128xf32, #tpu.memory_space<hbm>>
      tpu.enqueue_indirect_dma source(%dma_start3A_182 : memref<253952x128xf32, #tpu.memory_space<hbm>>) target(%dma_start3A_179 : memref<16x128xf32, #tpu.memory_space<vmem>>) offsets(%or3A_175 : vector<16xi32>) semaphore(%arg7 : memref<!tpu.dma_semaphore, #tpu.memory_space<semaphore_mem>>)
      %add3A_183 = arith.constant 128 : i32
      %add3A_184 = arith.addi %mul3A_12, %add3A_183 : i32
      %get3A_185 = arith.index_cast %add3A_184 : i32 to index
      %get3A_186 = tpu.vector_load %arg5[%get3A_185] {strides = array<i32>} : memref<512xi32, #tpu.memory_space<vmem>>, vector<16xi32>,
      %get3A_187 = vector.shape_cast %get3A_186 : vector<16xi32> to vector<16xi32>
      %shift_right_arithmetic3A_188 = arith.constant 15 : i32
      %shift_right_arithmetic3A_189 = vector.broadcast %shift_right_arithmetic3A_188 : i32 to vector<16xi32>
      %shift_right_arithmetic3A_190 = arith.shrsi %get3A_187, %shift_right_arithmetic3A_189 : vector<16xi32>
      %shift_left3A_191 = arith.constant 13 : i32
      %shift_left3A_192 = vector.broadcast %shift_left3A_191 : i32 to vector<16xi32>
      %shift_left3A_193 = arith.shli %shift_right_arithmetic3A_190, %shift_left3A_192 : vector<16xi32>
      %and3A_194 = arith.constant 8191 : i32
      %and3A_195 = vector.broadcast %and3A_194 : i32 to vector<16xi32>
      %and3A_196 = arith.andi %get3A_187, %and3A_195 : vector<16xi32>
      %or3A_197 = arith.ori %shift_left3A_193, %and3A_196 : vector<16xi32>
      %add3A_198 = arith.constant 128 : i32
      %add3A_199 = arith.addi %mul3A_12, %add3A_198 : i32
      %dma_start3A_200 = arith.constant 0 : i32
      %dma_start3A_201 = tpu.memref_slice %arg6[%add3A_199, %dma_start3A_200] : memref<512x128xf32, #tpu.memory_space<vmem>> -> memref<16x128xf32, #tpu.memory_space<vmem>>
      %dma_start3A_202 = arith.constant 0 : i32
      %dma_start3A_203 = arith.constant 0 : i32
      %dma_start3A_204 = tpu.memref_slice %arg2[%dma_start3A_202, %dma_start3A_203] : memref<253952x128xf32, #tpu.memory_space<hbm>> -> memref<253952x128xf32, #tpu.memory_space<hbm>>
      tpu.enqueue_indirect_dma source(%dma_start3A_204 : memref<253952x128xf32, #tpu.memory_space<hbm>>) target(%dma_start3A_201 : memref<16x128xf32, #tpu.memory_space<vmem>>) offsets(%or3A_197 : vector<16xi32>) semaphore(%arg7 : memref<!tpu.dma_semaphore, #tpu.memory_space<semaphore_mem>>)
      %add3A_205 = arith.constant 144 : i32
      %add3A_206 = arith.addi %mul3A_12, %add3A_205 : i32
      %get3A_207 = arith.index_cast %add3A_206 : i32 to index
      %get3A_208 = tpu.vector_load %arg5[%get3A_207] {strides = array<i32>} : memref<512xi32, #tpu.memory_space<vmem>>, vector<16xi32>,
      %get3A_209 = vector.shape_cast %get3A_208 : vector<16xi32> to vector<16xi32>
      %shift_right_arithmetic3A_210 = arith.constant 15 : i32
      %shift_right_arithmetic3A_211 = vector.broadcast %shift_right_arithmetic3A_210 : i32 to vector<16xi32>
      %shift_right_arithmetic3A_212 = arith.shrsi %get3A_209, %shift_right_arithmetic3A_211 : vector<16xi32>
      %shift_left3A_213 = arith.constant 13 : i32
      %shift_left3A_214 = vector.broadcast %shift_left3A_213 : i32 to vector<16xi32>
      %shift_left3A_215 = arith.shli %shift_right_arithmetic3A_212, %shift_left3A_214 : vector<16xi32>
      %and3A_216 = arith.constant 8191 : i32
      %and3A_217 = vector.broadcast %and3A_216 : i32 to vector<16xi32>
      %and3A_218 = arith.andi %get3A_209, %and3A_217 : vector<16xi32>
      %or3A_219 = arith.ori %shift_left3A_215, %and3A_218 : vector<16xi32>
      %add3A_220 = arith.constant 144 : i32
      %add3A_221 = arith.addi %mul3A_12, %add3A_220 : i32
      %dma_start3A_222 = arith.constant 0 : i32
      %dma_start3A_223 = tpu.memref_slice %arg6[%add3A_221, %dma_start3A_222] : memref<512x128xf32, #tpu.memory_space<vmem>> -> memref<16x128xf32, #tpu.memory_space<vmem>>
      %dma_start3A_224 = arith.constant 0 : i32
      %dma_start3A_225 = arith.constant 0 : i32
      %dma_start3A_226 = tpu.memref_slice %arg2[%dma_start3A_224, %dma_start3A_225] : memref<253952x128xf32, #tpu.memory_space<hbm>> -> memref<253952x128xf32, #tpu.memory_space<hbm>>
      tpu.enqueue_indirect_dma source(%dma_start3A_226 : memref<253952x128xf32, #tpu.memory_space<hbm>>) target(%dma_start3A_223 : memref<16x128xf32, #tpu.memory_space<vmem>>) offsets(%or3A_219 : vector<16xi32>) semaphore(%arg7 : memref<!tpu.dma_semaphore, #tpu.memory_space<semaphore_mem>>)
      %add3A_227 = arith.constant 160 : i32
      %add3A_228 = arith.addi %mul3A_12, %add3A_227 : i32
      %get3A_229 = arith.index_cast %add3A_228 : i32 to index
      %get3A_230 = tpu.vector_load %arg5[%get3A_229] {strides = array<i32>} : memref<512xi32, #tpu.memory_space<vmem>>, vector<16xi32>,
      %get3A_231 = vector.shape_cast %get3A_230 : vector<16xi32> to vector<16xi32>
      %shift_right_arithmetic3A_232 = arith.constant 15 : i32
      %shift_right_arithmetic3A_233 = vector.broadcast %shift_right_arithmetic3A_232 : i32 to vector<16xi32>
      %shift_right_arithmetic3A_234 = arith.shrsi %get3A_231, %shift_right_arithmetic3A_233 : vector<16xi32>
      %shift_left3A_235 = arith.constant 13 : i32
      %shift_left3A_236 = vector.broadcast %shift_left3A_235 : i32 to vector<16xi32>
      %shift_left3A_237 = arith.shli %shift_right_arithmetic3A_234, %shift_left3A_236 : vector<16xi32>
      %and3A_238 = arith.constant 8191 : i32
      %and3A_239 = vector.broadcast %and3A_238 : i32 to vector<16xi32>
      %and3A_240 = arith.andi %get3A_231, %and3A_239 : vector<16xi32>
      %or3A_241 = arith.ori %shift_left3A_237, %and3A_240 : vector<16xi32>
      %add3A_242 = arith.constant 160 : i32
      %add3A_243 = arith.addi %mul3A_12, %add3A_242 : i32
      %dma_start3A_244 = arith.constant 0 : i32
      %dma_start3A_245 = tpu.memref_slice %arg6[%add3A_243, %dma_start3A_244] : memref<512x128xf32, #tpu.memory_space<vmem>> -> memref<16x128xf32, #tpu.memory_space<vmem>>
      %dma_start3A_246 = arith.constant 0 : i32
      %dma_start3A_247 = arith.constant 0 : i32
      %dma_start3A_248 = tpu.memref_slice %arg2[%dma_start3A_246, %dma_start3A_247] : memref<253952x128xf32, #tpu.memory_space<hbm>> -> memref<253952x128xf32, #tpu.memory_space<hbm>>
      tpu.enqueue_indirect_dma source(%dma_start3A_248 : memref<253952x128xf32, #tpu.memory_space<hbm>>) target(%dma_start3A_245 : memref<16x128xf32, #tpu.memory_space<vmem>>) offsets(%or3A_241 : vector<16xi32>) semaphore(%arg7 : memref<!tpu.dma_semaphore, #tpu.memory_space<semaphore_mem>>)
      %add3A_249 = arith.constant 176 : i32
      %add3A_250 = arith.addi %mul3A_12, %add3A_249 : i32
      %get3A_251 = arith.index_cast %add3A_250 : i32 to index
      %get3A_252 = tpu.vector_load %arg5[%get3A_251] {strides = array<i32>} : memref<512xi32, #tpu.memory_space<vmem>>, vector<16xi32>,
      %get3A_253 = vector.shape_cast %get3A_252 : vector<16xi32> to vector<16xi32>
      %shift_right_arithmetic3A_254 = arith.constant 15 : i32
      %shift_right_arithmetic3A_255 = vector.broadcast %shift_right_arithmetic3A_254 : i32 to vector<16xi32>
      %shift_right_arithmetic3A_256 = arith.shrsi %get3A_253, %shift_right_arithmetic3A_255 : vector<16xi32>
      %shift_left3A_257 = arith.constant 13 : i32
      %shift_left3A_258 = vector.broadcast %shift_left3A_257 : i32 to vector<16xi32>
      %shift_left3A_259 = arith.shli %shift_right_arithmetic3A_256, %shift_left3A_258 : vector<16xi32>
      %and3A_260 = arith.constant 8191 : i32
      %and3A_261 = vector.broadcast %and3A_260 : i32 to vector<16xi32>
      %and3A_262 = arith.andi %get3A_253, %and3A_261 : vector<16xi32>
      %or3A_263 = arith.ori %shift_left3A_259, %and3A_262 : vector<16xi32>
      %add3A_264 = arith.constant 176 : i32
      %add3A_265 = arith.addi %mul3A_12, %add3A_264 : i32
      %dma_start3A_266 = arith.constant 0 : i32
      %dma_start3A_267 = tpu.memref_slice %arg6[%add3A_265, %dma_start3A_266] : memref<512x128xf32, #tpu.memory_space<vmem>> -> memref<16x128xf32, #tpu.memory_space<vmem>>
      %dma_start3A_268 = arith.constant 0 : i32
      %dma_start3A_269 = arith.constant 0 : i32
      %dma_start3A_270 = tpu.memref_slice %arg2[%dma_start3A_268, %dma_start3A_269] : memref<253952x128xf32, #tpu.memory_space<hbm>> -> memref<253952x128xf32, #tpu.memory_space<hbm>>
      tpu.enqueue_indirect_dma source(%dma_start3A_270 : memref<253952x128xf32, #tpu.memory_space<hbm>>) target(%dma_start3A_267 : memref<16x128xf32, #tpu.memory_space<vmem>>) offsets(%or3A_263 : vector<16xi32>) semaphore(%arg7 : memref<!tpu.dma_semaphore, #tpu.memory_space<semaphore_mem>>)
      %add3A_271 = arith.constant 192 : i32
      %add3A_272 = arith.addi %mul3A_12, %add3A_271 : i32
      %get3A_273 = arith.index_cast %add3A_272 : i32 to index
      %get3A_274 = tpu.vector_load %arg5[%get3A_273] {strides = array<i32>} : memref<512xi32, #tpu.memory_space<vmem>>, vector<16xi32>,
      %get3A_275 = vector.shape_cast %get3A_274 : vector<16xi32> to vector<16xi32>
      %shift_right_arithmetic3A_276 = arith.constant 15 : i32
      %shift_right_arithmetic3A_277 = vector.broadcast %shift_right_arithmetic3A_276 : i32 to vector<16xi32>
      %shift_right_arithmetic3A_278 = arith.shrsi %get3A_275, %shift_right_arithmetic3A_277 : vector<16xi32>
      %shift_left3A_279 = arith.constant 13 : i32
      %shift_left3A_280 = vector.broadcast %shift_left3A_279 : i32 to vector<16xi32>
      %shift_left3A_281 = arith.shli %shift_right_arithmetic3A_278, %shift_left3A_280 : vector<16xi32>
      %and3A_282 = arith.constant 8191 : i32
      %and3A_283 = vector.broadcast %and3A_282 : i32 to vector<16xi32>
      %and3A_284 = arith.andi %get3A_275, %and3A_283 : vector<16xi32>
      %or3A_285 = arith.ori %shift_left3A_281, %and3A_284 : vector<16xi32>
      %add3A_286 = arith.constant 192 : i32
      %add3A_287 = arith.addi %mul3A_12, %add3A_286 : i32
      %dma_start3A_288 = arith.constant 0 : i32
      %dma_start3A_289 = tpu.memref_slice %arg6[%add3A_287, %dma_start3A_288] : memref<512x128xf32, #tpu.memory_space<vmem>> -> memref<16x128xf32, #tpu.memory_space<vmem>>
      %dma_start3A_290 = arith.constant 0 : i32
      %dma_start3A_291 = arith.constant 0 : i32
      %dma_start3A_292 = tpu.memref_slice %arg2[%dma_start3A_290, %dma_start3A_291] : memref<253952x128xf32, #tpu.memory_space<hbm>> -> memref<253952x128xf32, #tpu.memory_space<hbm>>
      tpu.enqueue_indirect_dma source(%dma_start3A_292 : memref<253952x128xf32, #tpu.memory_space<hbm>>) target(%dma_start3A_289 : memref<16x128xf32, #tpu.memory_space<vmem>>) offsets(%or3A_285 : vector<16xi32>) semaphore(%arg7 : memref<!tpu.dma_semaphore, #tpu.memory_space<semaphore_mem>>)
      %add3A_293 = arith.constant 208 : i32
      %add3A_294 = arith.addi %mul3A_12, %add3A_293 : i32
      %get3A_295 = arith.index_cast %add3A_294 : i32 to index
      %get3A_296 = tpu.vector_load %arg5[%get3A_295] {strides = array<i32>} : memref<512xi32, #tpu.memory_space<vmem>>, vector<16xi32>,
      %get3A_297 = vector.shape_cast %get3A_296 : vector<16xi32> to vector<16xi32>
      %shift_right_arithmetic3A_298 = arith.constant 15 : i32
      %shift_right_arithmetic3A_299 = vector.broadcast %shift_right_arithmetic3A_298 : i32 to vector<16xi32>
      %shift_right_arithmetic3A_300 = arith.shrsi %get3A_297, %shift_right_arithmetic3A_299 : vector<16xi32>
      %shift_left3A_301 = arith.constant 13 : i32
      %shift_left3A_302 = vector.broadcast %shift_left3A_301 : i32 to vector<16xi32>
      %shift_left3A_303 = arith.shli %shift_right_arithmetic3A_300, %shift_left3A_302 : vector<16xi32>
      %and3A_304 = arith.constant 8191 : i32
      %and3A_305 = vector.broadcast %and3A_304 : i32 to vector<16xi32>
      %and3A_306 = arith.andi %get3A_297, %and3A_305 : vector<16xi32>
      %or3A_307 = arith.ori %shift_left3A_303, %and3A_306 : vector<16xi32>
      %add3A_308 = arith.constant 208 : i32
      %add3A_309 = arith.addi %mul3A_12, %add3A_308 : i32
      %dma_start3A_310 = arith.constant 0 : i32
      %dma_start3A_311 = tpu.memref_slice %arg6[%add3A_309, %dma_start3A_310] : memref<512x128xf32, #tpu.memory_space<vmem>> -> memref<16x128xf32, #tpu.memory_space<vmem>>
      %dma_start3A_312 = arith.constant 0 : i32
      %dma_start3A_313 = arith.constant 0 : i32
      %dma_start3A_314 = tpu.memref_slice %arg2[%dma_start3A_312, %dma_start3A_313] : memref<253952x128xf32, #tpu.memory_space<hbm>> -> memref<253952x128xf32, #tpu.memory_space<hbm>>
      tpu.enqueue_indirect_dma source(%dma_start3A_314 : memref<253952x128xf32, #tpu.memory_space<hbm>>) target(%dma_start3A_311 : memref<16x128xf32, #tpu.memory_space<vmem>>) offsets(%or3A_307 : vector<16xi32>) semaphore(%arg7 : memref<!tpu.dma_semaphore, #tpu.memory_space<semaphore_mem>>)
      %add3A_315 = arith.constant 224 : i32
      %add3A_316 = arith.addi %mul3A_12, %add3A_315 : i32
      %get3A_317 = arith.index_cast %add3A_316 : i32 to index
      %get3A_318 = tpu.vector_load %arg5[%get3A_317] {strides = array<i32>} : memref<512xi32, #tpu.memory_space<vmem>>, vector<16xi32>,
      %get3A_319 = vector.shape_cast %get3A_318 : vector<16xi32> to vector<16xi32>
      %shift_right_arithmetic3A_320 = arith.constant 15 : i32
      %shift_right_arithmetic3A_321 = vector.broadcast %shift_right_arithmetic3A_320 : i32 to vector<16xi32>
      %shift_right_arithmetic3A_322 = arith.shrsi %get3A_319, %shift_right_arithmetic3A_321 : vector<16xi32>
      %shift_left3A_323 = arith.constant 13 : i32
      %shift_left3A_324 = vector.broadcast %shift_left3A_323 : i32 to vector<16xi32>
      %shift_left3A_325 = arith.shli %shift_right_arithmetic3A_322, %shift_left3A_324 : vector<16xi32>
      %and3A_326 = arith.constant 8191 : i32
      %and3A_327 = vector.broadcast %and3A_326 : i32 to vector<16xi32>
      %and3A_328 = arith.andi %get3A_319, %and3A_327 : vector<16xi32>
      %or3A_329 = arith.ori %shift_left3A_325, %and3A_328 : vector<16xi32>
      %add3A_330 = arith.constant 224 : i32
      %add3A_331 = arith.addi %mul3A_12, %add3A_330 : i32
      %dma_start3A_332 = arith.constant 0 : i32
      %dma_start3A_333 = tpu.memref_slice %arg6[%add3A_331, %dma_start3A_332] : memref<512x128xf32, #tpu.memory_space<vmem>> -> memref<16x128xf32, #tpu.memory_space<vmem>>
      %dma_start3A_334 = arith.constant 0 : i32
      %dma_start3A_335 = arith.constant 0 : i32
      %dma_start3A_336 = tpu.memref_slice %arg2[%dma_start3A_334, %dma_start3A_335] : memref<253952x128xf32, #tpu.memory_space<hbm>> -> memref<253952x128xf32, #tpu.memory_space<hbm>>
      tpu.enqueue_indirect_dma source(%dma_start3A_336 : memref<253952x128xf32, #tpu.memory_space<hbm>>) target(%dma_start3A_333 : memref<16x128xf32, #tpu.memory_space<vmem>>) offsets(%or3A_329 : vector<16xi32>) semaphore(%arg7 : memref<!tpu.dma_semaphore, #tpu.memory_space<semaphore_mem>>)
      %add3A_337 = arith.constant 240 : i32
      %add3A_338 = arith.addi %mul3A_12, %add3A_337 : i32
      %get3A_339 = arith.index_cast %add3A_338 : i32 to index
      %get3A_340 = tpu.vector_load %arg5[%get3A_339] {strides = array<i32>} : memref<512xi32, #tpu.memory_space<vmem>>, vector<16xi32>,
      %get3A_341 = vector.shape_cast %get3A_340 : vector<16xi32> to vector<16xi32>
      %shift_right_arithmetic3A_342 = arith.constant 15 : i32
      %shift_right_arithmetic3A_343 = vector.broadcast %shift_right_arithmetic3A_342 : i32 to vector<16xi32>
      %shift_right_arithmetic3A_344 = arith.shrsi %get3A_341, %shift_right_arithmetic3A_343 : vector<16xi32>
      %shift_left3A_345 = arith.constant 13 : i32
      %shift_left3A_346 = vector.broadcast %shift_left3A_345 : i32 to vector<16xi32>
      %shift_left3A_347 = arith.shli %shift_right_arithmetic3A_344, %shift_left3A_346 : vector<16xi32>
      %and3A_348 = arith.constant 8191 : i32
      %and3A_349 = vector.broadcast %and3A_348 : i32 to vector<16xi32>
      %and3A_350 = arith.andi %get3A_341, %and3A_349 : vector<16xi32>
      %or3A_351 = arith.ori %shift_left3A_347, %and3A_350 : vector<16xi32>
      %add3A_352 = arith.constant 240 : i32
      %add3A_353 = arith.addi %mul3A_12, %add3A_352 : i32
      %dma_start3A_354 = arith.constant 0 : i32
      %dma_start3A_355 = tpu.memref_slice %arg6[%add3A_353, %dma_start3A_354] : memref<512x128xf32, #tpu.memory_space<vmem>> -> memref<16x128xf32, #tpu.memory_space<vmem>>
      %dma_start3A_356 = arith.constant 0 : i32
      %dma_start3A_357 = arith.constant 0 : i32
      %dma_start3A_358 = tpu.memref_slice %arg2[%dma_start3A_356, %dma_start3A_357] : memref<253952x128xf32, #tpu.memory_space<hbm>> -> memref<253952x128xf32, #tpu.memory_space<hbm>>
      tpu.enqueue_indirect_dma source(%dma_start3A_358 : memref<253952x128xf32, #tpu.memory_space<hbm>>) target(%dma_start3A_355 : memref<16x128xf32, #tpu.memory_space<vmem>>) offsets(%or3A_351 : vector<16xi32>) semaphore(%arg7 : memref<!tpu.dma_semaphore, #tpu.memory_space<semaphore_mem>>)
      %dma_wait3A = arith.constant 0 : i32
      %dma_wait3A_359 = tpu.memref_slice %arg6[%add3A_24, %dma_wait3A] : memref<512x128xf32, #tpu.memory_space<vmem>> -> memref<16x128xf32, #tpu.memory_space<vmem>>
      %dma_wait3A_360 = arith.constant 0 : i32
      %dma_wait3A_361 = arith.constant 0 : i32
      %dma_wait3A_362 = tpu.memref_slice %arg2[%dma_wait3A_360, %dma_wait3A_361] : memref<253952x128xf32, #tpu.memory_space<hbm>> -> memref<253952x128xf32, #tpu.memory_space<hbm>>
      tpu.wait_indirect_dma semaphore(%arg7 : memref<!tpu.dma_semaphore, #tpu.memory_space<semaphore_mem>>) src(%dma_wait3A_362 : memref<253952x128xf32, #tpu.memory_space<hbm>>) dst(%dma_wait3A_359 : memref<16x128xf32, #tpu.memory_space<vmem>>)
      %dma_wait3A_363 = arith.constant 0 : i32
      %dma_wait3A_364 = tpu.memref_slice %arg6[%add3A_45, %dma_wait3A_363] : memref<512x128xf32, #tpu.memory_space<vmem>> -> memref<16x128xf32, #tpu.memory_space<vmem>>
      %dma_wait3A_365 = arith.constant 0 : i32
      %dma_wait3A_366 = arith.constant 0 : i32
      %dma_wait3A_367 = tpu.memref_slice %arg2[%dma_wait3A_365, %dma_wait3A_366] : memref<253952x128xf32, #tpu.memory_space<hbm>> -> memref<253952x128xf32, #tpu.memory_space<hbm>>
      tpu.wait_indirect_dma semaphore(%arg7 : memref<!tpu.dma_semaphore, #tpu.memory_space<semaphore_mem>>) src(%dma_wait3A_367 : memref<253952x128xf32, #tpu.memory_space<hbm>>) dst(%dma_wait3A_364 : memref<16x128xf32, #tpu.memory_space<vmem>>)
      %dma_wait3A_368 = arith.constant 0 : i32
      %dma_wait3A_369 = tpu.memref_slice %arg6[%add3A_67, %dma_wait3A_368] : memref<512x128xf32, #tpu.memory_space<vmem>> -> memref<16x128xf32, #tpu.memory_space<vmem>>
      %dma_wait3A_370 = arith.constant 0 : i32
      %dma_wait3A_371 = arith.constant 0 : i32
      %dma_wait3A_372 = tpu.memref_slice %arg2[%dma_wait3A_370, %dma_wait3A_371] : memref<253952x128xf32, #tpu.memory_space<hbm>> -> memref<253952x128xf32, #tpu.memory_space<hbm>>
      tpu.wait_indirect_dma semaphore(%arg7 : memref<!tpu.dma_semaphore, #tpu.memory_space<semaphore_mem>>) src(%dma_wait3A_372 : memref<253952x128xf32, #tpu.memory_space<hbm>>) dst(%dma_wait3A_369 : memref<16x128xf32, #tpu.memory_space<vmem>>)
      %dma_wait3A_373 = arith.constant 0 : i32
      %dma_wait3A_374 = tpu.memref_slice %arg6[%add3A_89, %dma_wait3A_373] : memref<512x128xf32, #tpu.memory_space<vmem>> -> memref<16x128xf32, #tpu.memory_space<vmem>>
      %dma_wait3A_375 = arith.constant 0 : i32
      %dma_wait3A_376 = arith.constant 0 : i32
      %dma_wait3A_377 = tpu.memref_slice %arg2[%dma_wait3A_375, %dma_wait3A_376] : memref<253952x128xf32, #tpu.memory_space<hbm>> -> memref<253952x128xf32, #tpu.memory_space<hbm>>
      tpu.wait_indirect_dma semaphore(%arg7 : memref<!tpu.dma_semaphore, #tpu.memory_space<semaphore_mem>>) src(%dma_wait3A_377 : memref<253952x128xf32, #tpu.memory_space<hbm>>) dst(%dma_wait3A_374 : memref<16x128xf32, #tpu.memory_space<vmem>>)
      %dma_wait3A_378 = arith.constant 0 : i32
      %dma_wait3A_379 = tpu.memref_slice %arg6[%add3A_111, %dma_wait3A_378] : memref<512x128xf32, #tpu.memory_space<vmem>> -> memref<16x128xf32, #tpu.memory_space<vmem>>
      %dma_wait3A_380 = arith.constant 0 : i32
      %dma_wait3A_381 = arith.constant 0 : i32
      %dma_wait3A_382 = tpu.memref_slice %arg2[%dma_wait3A_380, %dma_wait3A_381] : memref<253952x128xf32, #tpu.memory_space<hbm>> -> memref<253952x128xf32, #tpu.memory_space<hbm>>
      tpu.wait_indirect_dma semaphore(%arg7 : memref<!tpu.dma_semaphore, #tpu.memory_space<semaphore_mem>>) src(%dma_wait3A_382 : memref<253952x128xf32, #tpu.memory_space<hbm>>) dst(%dma_wait3A_379 : memref<16x128xf32, #tpu.memory_space<vmem>>)
      %dma_wait3A_383 = arith.constant 0 : i32
      %dma_wait3A_384 = tpu.memref_slice %arg6[%add3A_133, %dma_wait3A_383] : memref<512x128xf32, #tpu.memory_space<vmem>> -> memref<16x128xf32, #tpu.memory_space<vmem>>
      %dma_wait3A_385 = arith.constant 0 : i32
      %dma_wait3A_386 = arith.constant 0 : i32
      %dma_wait3A_387 = tpu.memref_slice %arg2[%dma_wait3A_385, %dma_wait3A_386] : memref<253952x128xf32, #tpu.memory_space<hbm>> -> memref<253952x128xf32, #tpu.memory_space<hbm>>
      tpu.wait_indirect_dma semaphore(%arg7 : memref<!tpu.dma_semaphore, #tpu.memory_space<semaphore_mem>>) src(%dma_wait3A_387 : memref<253952x128xf32, #tpu.memory_space<hbm>>) dst(%dma_wait3A_384 : memref<16x128xf32, #tpu.memory_space<vmem>>)
      %dma_wait3A_388 = arith.constant 0 : i32
      %dma_wait3A_389 = tpu.memref_slice %arg6[%add3A_155, %dma_wait3A_388] : memref<512x128xf32, #tpu.memory_space<vmem>> -> memref<16x128xf32, #tpu.memory_space<vmem>>
      %dma_wait3A_390 = arith.constant 0 : i32
      %dma_wait3A_391 = arith.constant 0 : i32
      %dma_wait3A_392 = tpu.memref_slice %arg2[%dma_wait3A_390, %dma_wait3A_391] : memref<253952x128xf32, #tpu.memory_space<hbm>> -> memref<253952x128xf32, #tpu.memory_space<hbm>>
      tpu.wait_indirect_dma semaphore(%arg7 : memref<!tpu.dma_semaphore, #tpu.memory_space<semaphore_mem>>) src(%dma_wait3A_392 : memref<253952x128xf32, #tpu.memory_space<hbm>>) dst(%dma_wait3A_389 : memref<16x128xf32, #tpu.memory_space<vmem>>)
      %dma_wait3A_393 = arith.constant 0 : i32
      %dma_wait3A_394 = tpu.memref_slice %arg6[%add3A_177, %dma_wait3A_393] : memref<512x128xf32, #tpu.memory_space<vmem>> -> memref<16x128xf32, #tpu.memory_space<vmem>>
      %dma_wait3A_395 = arith.constant 0 : i32
      %dma_wait3A_396 = arith.constant 0 : i32
      %dma_wait3A_397 = tpu.memref_slice %arg2[%dma_wait3A_395, %dma_wait3A_396] : memref<253952x128xf32, #tpu.memory_space<hbm>> -> memref<253952x128xf32, #tpu.memory_space<hbm>>
      tpu.wait_indirect_dma semaphore(%arg7 : memref<!tpu.dma_semaphore, #tpu.memory_space<semaphore_mem>>) src(%dma_wait3A_397 : memref<253952x128xf32, #tpu.memory_space<hbm>>) dst(%dma_wait3A_394 : memref<16x128xf32, #tpu.memory_space<vmem>>)
      %dma_wait3A_398 = arith.constant 0 : i32
      %dma_wait3A_399 = tpu.memref_slice %arg6[%add3A_199, %dma_wait3A_398] : memref<512x128xf32, #tpu.memory_space<vmem>> -> memref<16x128xf32, #tpu.memory_space<vmem>>
      %dma_wait3A_400 = arith.constant 0 : i32
      %dma_wait3A_401 = arith.constant 0 : i32
      %dma_wait3A_402 = tpu.memref_slice %arg2[%dma_wait3A_400, %dma_wait3A_401] : memref<253952x128xf32, #tpu.memory_space<hbm>> -> memref<253952x128xf32, #tpu.memory_space<hbm>>
      tpu.wait_indirect_dma semaphore(%arg7 : memref<!tpu.dma_semaphore, #tpu.memory_space<semaphore_mem>>) src(%dma_wait3A_402 : memref<253952x128xf32, #tpu.memory_space<hbm>>) dst(%dma_wait3A_399 : memref<16x128xf32, #tpu.memory_space<vmem>>)
      %dma_wait3A_403 = arith.constant 0 : i32
      %dma_wait3A_404 = tpu.memref_slice %arg6[%add3A_221, %dma_wait3A_403] : memref<512x128xf32, #tpu.memory_space<vmem>> -> memref<16x128xf32, #tpu.memory_space<vmem>>
      %dma_wait3A_405 = arith.constant 0 : i32
      %dma_wait3A_406 = arith.constant 0 : i32
      %dma_wait3A_407 = tpu.memref_slice %arg2[%dma_wait3A_405, %dma_wait3A_406] : memref<253952x128xf32, #tpu.memory_space<hbm>> -> memref<253952x128xf32, #tpu.memory_space<hbm>>
      tpu.wait_indirect_dma semaphore(%arg7 : memref<!tpu.dma_semaphore, #tpu.memory_space<semaphore_mem>>) src(%dma_wait3A_407 : memref<253952x128xf32, #tpu.memory_space<hbm>>) dst(%dma_wait3A_404 : memref<16x128xf32, #tpu.memory_space<vmem>>)
      %dma_wait3A_408 = arith.constant 0 : i32
      %dma_wait3A_409 = tpu.memref_slice %arg6[%add3A_243, %dma_wait3A_408] : memref<512x128xf32, #tpu.memory_space<vmem>> -> memref<16x128xf32, #tpu.memory_space<vmem>>
      %dma_wait3A_410 = arith.constant 0 : i32
      %dma_wait3A_411 = arith.constant 0 : i32
      %dma_wait3A_412 = tpu.memref_slice %arg2[%dma_wait3A_410, %dma_wait3A_411] : memref<253952x128xf32, #tpu.memory_space<hbm>> -> memref<253952x128xf32, #tpu.memory_space<hbm>>
      tpu.wait_indirect_dma semaphore(%arg7 : memref<!tpu.dma_semaphore, #tpu.memory_space<semaphore_mem>>) src(%dma_wait3A_412 : memref<253952x128xf32, #tpu.memory_space<hbm>>) dst(%dma_wait3A_409 : memref<16x128xf32, #tpu.memory_space<vmem>>)
      %dma_wait3A_413 = arith.constant 0 : i32
      %dma_wait3A_414 = tpu.memref_slice %arg6[%add3A_265, %dma_wait3A_413] : memref<512x128xf32, #tpu.memory_space<vmem>> -> memref<16x128xf32, #tpu.memory_space<vmem>>
      %dma_wait3A_415 = arith.constant 0 : i32
      %dma_wait3A_416 = arith.constant 0 : i32
      %dma_wait3A_417 = tpu.memref_slice %arg2[%dma_wait3A_415, %dma_wait3A_416] : memref<253952x128xf32, #tpu.memory_space<hbm>> -> memref<253952x128xf32, #tpu.memory_space<hbm>>
      tpu.wait_indirect_dma semaphore(%arg7 : memref<!tpu.dma_semaphore, #tpu.memory_space<semaphore_mem>>) src(%dma_wait3A_417 : memref<253952x128xf32, #tpu.memory_space<hbm>>) dst(%dma_wait3A_414 : memref<16x128xf32, #tpu.memory_space<vmem>>)
      %dma_wait3A_418 = arith.constant 0 : i32
      %dma_wait3A_419 = tpu.memref_slice %arg6[%add3A_287, %dma_wait3A_418] : memref<512x128xf32, #tpu.memory_space<vmem>> -> memref<16x128xf32, #tpu.memory_space<vmem>>
      %dma_wait3A_420 = arith.constant 0 : i32
      %dma_wait3A_421 = arith.constant 0 : i32
      %dma_wait3A_422 = tpu.memref_slice %arg2[%dma_wait3A_420, %dma_wait3A_421] : memref<253952x128xf32, #tpu.memory_space<hbm>> -> memref<253952x128xf32, #tpu.memory_space<hbm>>
      tpu.wait_indirect_dma semaphore(%arg7 : memref<!tpu.dma_semaphore, #tpu.memory_space<semaphore_mem>>) src(%dma_wait3A_422 : memref<253952x128xf32, #tpu.memory_space<hbm>>) dst(%dma_wait3A_419 : memref<16x128xf32, #tpu.memory_space<vmem>>)
      %dma_wait3A_423 = arith.constant 0 : i32
      %dma_wait3A_424 = tpu.memref_slice %arg6[%add3A_309, %dma_wait3A_423] : memref<512x128xf32, #tpu.memory_space<vmem>> -> memref<16x128xf32, #tpu.memory_space<vmem>>
      %dma_wait3A_425 = arith.constant 0 : i32
      %dma_wait3A_426 = arith.constant 0 : i32
      %dma_wait3A_427 = tpu.memref_slice %arg2[%dma_wait3A_425, %dma_wait3A_426] : memref<253952x128xf32, #tpu.memory_space<hbm>> -> memref<253952x128xf32, #tpu.memory_space<hbm>>
      tpu.wait_indirect_dma semaphore(%arg7 : memref<!tpu.dma_semaphore, #tpu.memory_space<semaphore_mem>>) src(%dma_wait3A_427 : memref<253952x128xf32, #tpu.memory_space<hbm>>) dst(%dma_wait3A_424 : memref<16x128xf32, #tpu.memory_space<vmem>>)
      %dma_wait3A_428 = arith.constant 0 : i32
      %dma_wait3A_429 = tpu.memref_slice %arg6[%add3A_331, %dma_wait3A_428] : memref<512x128xf32, #tpu.memory_space<vmem>> -> memref<16x128xf32, #tpu.memory_space<vmem>>
      %dma_wait3A_430 = arith.constant 0 : i32
      %dma_wait3A_431 = arith.constant 0 : i32
      %dma_wait3A_432 = tpu.memref_slice %arg2[%dma_wait3A_430, %dma_wait3A_431] : memref<253952x128xf32, #tpu.memory_space<hbm>> -> memref<253952x128xf32, #tpu.memory_space<hbm>>
      tpu.wait_indirect_dma semaphore(%arg7 : memref<!tpu.dma_semaphore, #tpu.memory_space<semaphore_mem>>) src(%dma_wait3A_432 : memref<253952x128xf32, #tpu.memory_space<hbm>>) dst(%dma_wait3A_429 : memref<16x128xf32, #tpu.memory_space<vmem>>)
      %dma_wait3A_433 = arith.constant 0 : i32
      %dma_wait3A_434 = tpu.memref_slice %arg6[%add3A_353, %dma_wait3A_433] : memref<512x128xf32, #tpu.memory_space<vmem>> -> memref<16x128xf32, #tpu.memory_space<vmem>>
      %dma_wait3A_435 = arith.constant 0 : i32
      %dma_wait3A_436 = arith.constant 0 : i32
      %dma_wait3A_437 = tpu.memref_slice %arg2[%dma_wait3A_435, %dma_wait3A_436] : memref<253952x128xf32, #tpu.memory_space<hbm>> -> memref<253952x128xf32, #tpu.memory_space<hbm>>
      tpu.wait_indirect_dma semaphore(%arg7 : memref<!tpu.dma_semaphore, #tpu.memory_space<semaphore_mem>>) src(%dma_wait3A_437 : memref<253952x128xf32, #tpu.memory_space<hbm>>) dst(%dma_wait3A_434 : memref<16x128xf32, #tpu.memory_space<vmem>>)
    }
    %scan3A_7 = arith.constant 2 : i32
    "tpu.region"() ({
      %run_scoped3A = tpu.sem_alloc : memref<!tpu.dma_semaphore, #tpu.memory_space<semaphore_mem>>
      %dma_start3A = arith.constant 0 : i32
      %dma_start3A_8 = tpu.memref_slice %arg4[%mul3A_2, %dma_start3A] : memref<16384x128xf32, #tpu.memory_space<hbm>> -> memref<512x128xf32, #tpu.memory_space<hbm>>
      %dma_start3A_9 = arith.constant 0 : i32
      %dma_start3A_10 = tpu.memref_slice %arg4[%mul3A_2, %dma_start3A_9] : memref<16384x128xf32, #tpu.memory_space<hbm>> -> memref<512x128xf32, #tpu.memory_space<hbm>>
      tpu.enqueue_dma source(%arg6 : memref<512x128xf32, #tpu.memory_space<vmem>>) target(%dma_start3A_10 : memref<512x128xf32, #tpu.memory_space<hbm>>) target_semaphore(%run_scoped3A : memref<!tpu.dma_semaphore, #tpu.memory_space<semaphore_mem>>)
      %dma_wait3A = arith.constant 0 : i32
      %dma_wait3A_11 = tpu.memref_slice %arg4[%mul3A_2, %dma_wait3A] : memref<16384x128xf32, #tpu.memory_space<hbm>> -> memref<512x128xf32, #tpu.memory_space<hbm>>
      %dma_wait3A_12 = arith.constant 0 : i32
      %dma_wait3A_13 = tpu.memref_slice %arg4[%mul3A_2, %dma_wait3A_12] : memref<16384x128xf32, #tpu.memory_space<hbm>> -> memref<512x128xf32, #tpu.memory_space<hbm>>
      tpu.wait_dma2 semaphore(%run_scoped3A : memref<!tpu.dma_semaphore, #tpu.memory_space<semaphore_mem>>) src(%arg6 : memref<512x128xf32, #tpu.memory_space<vmem>>) dst(%dma_wait3A_13 : memref<512x128xf32, #tpu.memory_space<hbm>>)
      tpu.yield
    }) : () -> ()
    return
  }
}

module attributes {stable_mosaic.version = 14 : i64} {
  func.func @body(%arg0: i32, %arg1: memref<2048x128xf32, #tpu.memory_space<vmem>>, %arg2: memref<1x2048xi32, #tpu.memory_space<vmem>>, %arg3: memref<1x64xf32, #tpu.memory_space<vmem>>, %arg4: memref<64x64xf32, #tpu.memory_space<vmem>>, %arg5: memref<64x1xf32, #tpu.memory_space<vmem>>, %arg6: memref<64x2048xf32, #tpu.memory_space<vmem>>) attributes {dimension_semantics = [#tpu.dimension_semantics<arbitrary>], iteration_bounds = array<i64: 8>, scalar_prefetch = 0 : i64, scratch_operands = 0 : i64, tpu.core_type = #tpu.core_type<tc>, window_params = [{transform_indices = @transform_0, window_bounds = array<i64: 2048, 128>}, {transform_indices = @transform_1, window_bounds = array<i64: 1, 2048>}, {pipeline_mode = #tpu.pipeline_mode<synchronous>, transform_indices = @transform_2, window_bounds = array<i64: 1, 64>}, {pipeline_mode = #tpu.pipeline_mode<synchronous>, transform_indices = @transform_3, window_bounds = array<i64: 64, 64>}, {pipeline_mode = #tpu.pipeline_mode<synchronous>, transform_indices = @transform_4, window_bounds = array<i64: 64, 1>}, {transform_indices = @transform_5, window_bounds = array<i64: 64, 2048>}]} {
    %get3A = arith.constant 0 : index
    %get3A_0 = arith.constant 0 : index
    %get3A_1 = vector.load %arg1[%get3A, %get3A_0] : memref<2048x128xf32, #tpu.memory_space<vmem>>, vector<2048x128xf32>
    %bitcast_convert_type3A = tpu.bitcast %get3A_1 : vector<2048x128xf32> -> vector<2048x128xi32>
    %get3A_2 = arith.constant 0 : index
    %get3A_3 = arith.constant 0 : index
    %get3A_4 = vector.load %arg2[%get3A_2, %get3A_3] : memref<1x2048xi32, #tpu.memory_space<vmem>>, vector<1x2048xi32>
    %transpose3A = tpu.transpose %get3A_4, [1, 0] : vector<1x2048xi32> -> vector<2048x1xi32>
    %shift_right_arithmetic3A = arith.constant 14 : i32
    %shift_right_arithmetic3A_5 = vector.broadcast %shift_right_arithmetic3A : i32 to vector<2048x1xi32>
    %shift_right_arithmetic3A_6 = arith.shrsi %transpose3A, %shift_right_arithmetic3A_5 : vector<2048x1xi32>
    %and3A = arith.constant 1 : i32
    %and3A_7 = vector.broadcast %and3A : i32 to vector<2048x1xi32>
    %and3A_8 = arith.andi %shift_right_arithmetic3A_6, %and3A_7 : vector<2048x1xi32>
    %eq3A = arith.constant 1 : i32
    %eq3A_9 = vector.broadcast %eq3A : i32 to vector<2048x1xi32>
    %eq3A_10 = arith.cmpi eq, %and3A_8, %eq3A_9 : vector<2048x1xi32>
    %shift_right_arithmetic3A_11 = arith.constant 13 : i32
    %shift_right_arithmetic3A_12 = vector.broadcast %shift_right_arithmetic3A_11 : i32 to vector<2048x1xi32>
    %shift_right_arithmetic3A_13 = arith.shrsi %transpose3A, %shift_right_arithmetic3A_12 : vector<2048x1xi32>
    %and3A_14 = arith.constant 1 : i32
    %and3A_15 = vector.broadcast %and3A_14 : i32 to vector<2048x1xi32>
    %and3A_16 = arith.andi %shift_right_arithmetic3A_13, %and3A_15 : vector<2048x1xi32>
    %eq3A_17 = arith.constant 1 : i32
    %eq3A_18 = vector.broadcast %eq3A_17 : i32 to vector<2048x1xi32>
    %eq3A_19 = arith.cmpi eq, %and3A_16, %eq3A_18 : vector<2048x1xi32>
    %and3A_20 = arith.constant -65536 : i32
    %and3A_21 = vector.broadcast %and3A_20 : i32 to vector<2048x128xi32>
    %and3A_22 = arith.andi %bitcast_convert_type3A, %and3A_21 : vector<2048x128xi32>
    %shift_left3A = arith.constant 16 : i32
    %shift_left3A_23 = vector.broadcast %shift_left3A : i32 to vector<2048x128xi32>
    %shift_left3A_24 = arith.shli %bitcast_convert_type3A, %shift_left3A_23 : vector<2048x128xi32>
    %broadcast_in_dim3A = vector.shape_cast %eq3A_10 : vector<2048x1xi1> to vector<2048x1xi1>
    %broadcast_in_dim3A_25 = vector.broadcast %broadcast_in_dim3A : vector<2048x1xi1> to vector<2048x128xi1>
    %select_n3A = arith.select %broadcast_in_dim3A_25, %and3A_22, %shift_left3A_24 : vector<2048x128xi1>, vector<2048x128xi32>
    %bitcast_convert_type3A_26 = tpu.bitcast %select_n3A : vector<2048x128xi32> -> vector<2048x128xf32>
    %slice3A = vector.extract_strided_slice %bitcast_convert_type3A_26 {offsets = [0, 64], sizes = [2048, 64], strides = [1, 1]} : vector<2048x128xf32> to vector<2048x64xf32>
    %slice3A_27 = vector.extract_strided_slice %bitcast_convert_type3A_26 {offsets = [0, 0], sizes = [2048, 64], strides = [1, 1]} : vector<2048x128xf32> to vector<2048x64xf32>
    %broadcast_in_dim3A_28 = vector.shape_cast %eq3A_19 : vector<2048x1xi1> to vector<2048x1xi1>
    %broadcast_in_dim3A_29 = vector.broadcast %broadcast_in_dim3A_28 : vector<2048x1xi1> to vector<2048x64xi1>
    %select_n3A_30 = arith.select %broadcast_in_dim3A_29, %slice3A, %slice3A_27 : vector<2048x64xi1>, vector<2048x64xf32>
    %get3A_31 = arith.constant 0 : index
    %get3A_32 = arith.constant 0 : index
    %get3A_33 = vector.load %arg3[%get3A_31, %get3A_32] : memref<1x64xf32, #tpu.memory_space<vmem>>, vector<1x64xf32>
    %add3A = vector.broadcast %get3A_33 : vector<1x64xf32> to vector<2048x64xf32>
    %add3A_34 = arith.addf %select_n3A_30, %add3A : vector<2048x64xf32>
    %logistic3A = arith.negf %add3A_34 : vector<2048x64xf32>
    %logistic3A_35 = math.exp %logistic3A : vector<2048x64xf32>
    %logistic3A_36 = arith.constant 1.000000e+00 : f32
    %logistic3A_37 = vector.broadcast %logistic3A_36 : f32 to vector<2048x64xf32>
    %logistic3A_38 = arith.addf %logistic3A_37, %logistic3A_35 : vector<2048x64xf32>
    %logistic3A_39 = arith.divf %logistic3A_37, %logistic3A_38 : vector<2048x64xf32>
    %mul3A = arith.mulf %add3A_34, %logistic3A_39 : vector<2048x64xf32>
    %get3A_40 = arith.constant 0 : index
    %get3A_41 = arith.constant 0 : index
    %get3A_42 = vector.load %arg4[%get3A_40, %get3A_41] : memref<64x64xf32, #tpu.memory_space<vmem>>, vector<64x64xf32>
    %dot_general3A = arith.constant dense<0.000000e+00> : vector<64x2048xf32>
    %dot_general3A_43 = tpu.matmul %get3A_42, %mul3A, %dot_general3A {dimension_numbers = #tpu.dot_dimension_numbers<[0], [1], [1], [0], [0, 1, 1, 0], [], []>, transpose_lhs_hint = false} : vector<64x64xf32>, vector<2048x64xf32>, vector<64x2048xf32> -> vector<64x2048xf32>
    %get3A_44 = arith.constant 0 : index
    %get3A_45 = arith.constant 0 : index
    %get3A_46 = vector.load %arg5[%get3A_44, %get3A_45] : memref<64x1xf32, #tpu.memory_space<vmem>>, vector<64x1xf32>
    %add3A_47 = vector.broadcast %get3A_46 : vector<64x1xf32> to vector<64x2048xf32>
    %add3A_48 = arith.addf %dot_general3A_43, %add3A_47 : vector<64x2048xf32>
    %swap3A = arith.constant 0 : index
    %swap3A_49 = arith.constant 0 : index
    %swap3A_50 = vector.load %arg6[%swap3A, %swap3A_49] : memref<64x2048xf32, #tpu.memory_space<vmem>>, vector<64x2048xf32>
    tpu.vector_store %arg6[%swap3A, %swap3A_49], %add3A_48 {strides = array<i32>} : memref<64x2048xf32, #tpu.memory_space<vmem>>, vector<64x2048xf32>,
    return
  }
  func.func @transform_0(%arg0: i32) -> (i32, i32) {
    %c0_i32 = arith.constant 0 : i32
    %c0_i32_0 = arith.constant 0 : i32
    return %arg0, %c0_i32 : i32, i32
  }
  func.func @transform_1(%arg0: i32) -> (i32, i32) {
    %c0_i32 = arith.constant 0 : i32
    %c0_i32_0 = arith.constant 0 : i32
    return %c0_i32, %arg0 : i32, i32
  }
  func.func @transform_2(%arg0: i32) -> (i32, i32) {
    %c0_i32 = arith.constant 0 : i32
    %c0_i32_0 = arith.constant 0 : i32
    %c0_i32_1 = arith.constant 0 : i32
    return %c0_i32, %c0_i32_0 : i32, i32
  }
  func.func @transform_3(%arg0: i32) -> (i32, i32) {
    %c0_i32 = arith.constant 0 : i32
    %c0_i32_0 = arith.constant 0 : i32
    %c0_i32_1 = arith.constant 0 : i32
    return %c0_i32, %c0_i32_0 : i32, i32
  }
  func.func @transform_4(%arg0: i32) -> (i32, i32) {
    %c0_i32 = arith.constant 0 : i32
    %c0_i32_0 = arith.constant 0 : i32
    %c0_i32_1 = arith.constant 0 : i32
    return %c0_i32, %c0_i32_0 : i32, i32
  }
  func.func @transform_5(%arg0: i32) -> (i32, i32) {
    %c0_i32 = arith.constant 0 : i32
    %c0_i32_0 = arith.constant 0 : i32
    return %c0_i32, %arg0 : i32, i32
  }
}

module attributes {stable_mosaic.version = 14 : i64} {
  func.func @body(%arg0: i32, %arg1: memref<64x32768xf32, #tpu.memory_space<vmem>>, %arg2: memref<128x128xbf16, #tpu.memory_space<vmem>>, %arg3: memref<8192x128xf32, #tpu.memory_space<vmem>>) attributes {dimension_semantics = [#tpu.dimension_semantics<arbitrary>], iteration_bounds = array<i64: 31>, scalar_prefetch = 0 : i64, scratch_operands = 0 : i64, tpu.core_type = #tpu.core_type<tc>, window_params = [{transform_indices = @transform_0, window_bounds = array<i64: 64, 32768>}, {pipeline_mode = #tpu.pipeline_mode<synchronous>, transform_indices = @transform_1, window_bounds = array<i64: 128, 128>}, {transform_indices = @transform_2, window_bounds = array<i64: 8192, 128>}]} {
    %get3A = arith.constant 0 : index
    %get3A_0 = arith.constant 0 : index
    %get3A_1 = vector.load %arg1[%get3A, %get3A_0] : memref<64x32768xf32, #tpu.memory_space<vmem>>, vector<64x32768xf32>
    %convert_element_type3A = arith.truncf %get3A_1 : vector<64x32768xf32> to vector<64x32768xbf16>
    %get3A_2 = arith.constant 0 : index
    %get3A_3 = arith.constant 0 : index
    %get3A_4 = vector.load %arg2[%get3A_2, %get3A_3] : memref<128x128xbf16, #tpu.memory_space<vmem>>, vector<128x128xbf16>
    %slice3A = vector.extract_strided_slice %convert_element_type3A {offsets = [0, 0], sizes = [64, 8192], strides = [1, 1]} : vector<64x32768xbf16> to vector<64x8192xbf16>
    %slice3A_5 = vector.extract_strided_slice %convert_element_type3A {offsets = [0, 8192], sizes = [64, 8192], strides = [1, 1]} : vector<64x32768xbf16> to vector<64x8192xbf16>
    %concatenate3A = tpu.concatenate %slice3A, %slice3A_5 in 0 : vector<64x8192xbf16>, vector<64x8192xbf16> -> vector<128x8192xbf16>
    %slice3A_6 = vector.extract_strided_slice %convert_element_type3A {offsets = [0, 16384], sizes = [64, 8192], strides = [1, 1]} : vector<64x32768xbf16> to vector<64x8192xbf16>
    %slice3A_7 = vector.extract_strided_slice %convert_element_type3A {offsets = [0, 24576], sizes = [64, 8192], strides = [1, 1]} : vector<64x32768xbf16> to vector<64x8192xbf16>
    %concatenate3A_8 = tpu.concatenate %slice3A_6, %slice3A_7 in 0 : vector<64x8192xbf16>, vector<64x8192xbf16> -> vector<128x8192xbf16>
    %dot_general3A = arith.constant dense<0.000000e+00> : vector<8192x128xf32>
    %dot_general3A_9 = tpu.matmul %concatenate3A, %get3A_4, %dot_general3A {dimension_numbers = #tpu.dot_dimension_numbers<[0], [0], [1], [1], [0, 1, 1, 1], [], []>, transpose_lhs_hint = false} : vector<128x8192xbf16>, vector<128x128xbf16>, vector<8192x128xf32> -> vector<8192x128xf32>
    %dot_general3A_10 = arith.constant dense<0.000000e+00> : vector<8192x128xf32>
    %dot_general3A_11 = tpu.matmul %concatenate3A_8, %get3A_4, %dot_general3A_10 {dimension_numbers = #tpu.dot_dimension_numbers<[0], [0], [1], [1], [0, 1, 1, 1], [], []>, transpose_lhs_hint = false} : vector<128x8192xbf16>, vector<128x128xbf16>, vector<8192x128xf32> -> vector<8192x128xf32>
    %bitcast_convert_type3A = tpu.bitcast %dot_general3A_9 : vector<8192x128xf32> -> vector<8192x128xi32>
    %add3A = arith.constant 32767 : i32
    %add3A_12 = vector.broadcast %add3A : i32 to vector<8192x128xi32>
    %add3A_13 = arith.addi %bitcast_convert_type3A, %add3A_12 : vector<8192x128xi32>
    %shift_right_logical3A = arith.constant 16 : i32
    %shift_right_logical3A_14 = vector.broadcast %shift_right_logical3A : i32 to vector<8192x128xi32>
    %shift_right_logical3A_15 = arith.shrui %bitcast_convert_type3A, %shift_right_logical3A_14 : vector<8192x128xi32>
    %and3A = arith.constant 1 : i32
    %and3A_16 = vector.broadcast %and3A : i32 to vector<8192x128xi32>
    %and3A_17 = arith.andi %shift_right_logical3A_15, %and3A_16 : vector<8192x128xi32>
    %add3A_18 = arith.addi %add3A_13, %and3A_17 : vector<8192x128xi32>
    %and3A_19 = arith.constant -65536 : i32
    %and3A_20 = vector.broadcast %and3A_19 : i32 to vector<8192x128xi32>
    %and3A_21 = arith.andi %add3A_18, %and3A_20 : vector<8192x128xi32>
    %shift_right_logical3A_22 = arith.constant 16 : i32
    %shift_right_logical3A_23 = vector.broadcast %shift_right_logical3A_22 : i32 to vector<8192x128xi32>
    %shift_right_logical3A_24 = arith.shrui %and3A_21, %shift_right_logical3A_23 : vector<8192x128xi32>
    %bitcast_convert_type3A_25 = tpu.bitcast %dot_general3A_11 : vector<8192x128xf32> -> vector<8192x128xi32>
    %add3A_26 = arith.constant 32767 : i32
    %add3A_27 = vector.broadcast %add3A_26 : i32 to vector<8192x128xi32>
    %add3A_28 = arith.addi %bitcast_convert_type3A_25, %add3A_27 : vector<8192x128xi32>
    %shift_right_logical3A_29 = arith.constant 16 : i32
    %shift_right_logical3A_30 = vector.broadcast %shift_right_logical3A_29 : i32 to vector<8192x128xi32>
    %shift_right_logical3A_31 = arith.shrui %bitcast_convert_type3A_25, %shift_right_logical3A_30 : vector<8192x128xi32>
    %and3A_32 = arith.constant 1 : i32
    %and3A_33 = vector.broadcast %and3A_32 : i32 to vector<8192x128xi32>
    %and3A_34 = arith.andi %shift_right_logical3A_31, %and3A_33 : vector<8192x128xi32>
    %add3A_35 = arith.addi %add3A_28, %and3A_34 : vector<8192x128xi32>
    %and3A_36 = arith.constant -65536 : i32
    %and3A_37 = vector.broadcast %and3A_36 : i32 to vector<8192x128xi32>
    %and3A_38 = arith.andi %add3A_35, %and3A_37 : vector<8192x128xi32>
    %or3A = arith.ori %shift_right_logical3A_24, %and3A_38 : vector<8192x128xi32>
    %bitcast_convert_type3A_39 = tpu.bitcast %or3A : vector<8192x128xi32> -> vector<8192x128xf32>
    %swap3A = arith.constant 0 : index
    %swap3A_40 = arith.constant 0 : index
    %swap3A_41 = vector.load %arg3[%swap3A, %swap3A_40] : memref<8192x128xf32, #tpu.memory_space<vmem>>, vector<8192x128xf32>
    tpu.vector_store %arg3[%swap3A, %swap3A_40], %bitcast_convert_type3A_39 {strides = array<i32>} : memref<8192x128xf32, #tpu.memory_space<vmem>>, vector<8192x128xf32>,
    return
  }
  func.func @transform_0(%arg0: i32) -> (i32, i32) {
    %c0_i32 = arith.constant 0 : i32
    %c0_i32_0 = arith.constant 0 : i32
    return %c0_i32, %arg0 : i32, i32
  }
  func.func @transform_1(%arg0: i32) -> (i32, i32) {
    %c0_i32 = arith.constant 0 : i32
    %c0_i32_0 = arith.constant 0 : i32
    %c0_i32_1 = arith.constant 0 : i32
    return %c0_i32, %c0_i32_0 : i32, i32
  }
  func.func @transform_2(%arg0: i32) -> (i32, i32) {
    %c0_i32 = arith.constant 0 : i32
    %c0_i32_0 = arith.constant 0 : i32
    return %arg0, %c0_i32 : i32, i32
  }
}

</mosaic_0001>

<sc_bundles>
// kernel: kernel.5.cloned.1.call-start
scs
__scs_entry_jumppad:
0x0: {  	(pc) =	sbr.rel $0x88, $3  }
0x1: {  	(tag) =	ssettag $0x0;
	lr =	simm.s32 $0x1  }
0x2: {  	[smem:$0x3F9B] =	sst lr;
	_ =	strace $0xD0000000  }
0x3: {  	_ = 	snop  }
0x4: {  	_ = 	snop  }
0x5: {  	_ = 	snop  }
0x6: {  	_ = 	snop  }
0x7: {  	_ = 	snop  }
__scs_overlays_trampoline_lowered:
0x8: {  	[smem:$0x3FAA] =	sst s0  }
0x9: {  	[smem:$0x3FAB] =	sst s1  }
0xa: {  	[smem:$0x3FAC] =	sst s2  }
0xb: {  	[smem:$0x3FAD] =	sst s3  }
0xc: {  	[smem:$0x3FAE] =	sst s4  }
0xd: {  	[smem:$0x3FAF] =	sst s5  }
0xe: {  	[smem:$0x3FB0] =	sst s6  }
0xf: {  	[smem:$0x3FB1] =	sst s7  }
0x10: {  	[smem:$0x3FB2] =	sst s8  }
0x11: {  	[smem:$0x3FB3] =	sst s9;
	s0 =	simm.s32 @!p0 $0x0  }
0x12: {  	s1 =	sld [smem:$0x3F99];
	s0 =	simm.s32 @p0 $0x1  }
0x13: {  	[smem:$0x3FB4] =	sst s0;
	s0 =	simm.s32 @!p1 $0x0  }
0x14: {  	s2 =	sld [smem:$0x3F98];
	s0 =	simm.s32 @p1 $0x1  }
0x15: {  	[smem:$0x3FB5] =	sst s0;
	s0 =	simm.s32 @!p2 $0x0  }
0x16: {  	s3 =	sld [smem:$0x3FDB];
	s0 =	simm.s32 @p2 $0x1  }
0x17: {  	s4 =	simm.s32 $0x1BF5;
	[smem:$0x3FB7] =	sst s0  }
0x18: {  	s0 =	sld [smem:$0x3F9A];
	_ =	swait.ge [sflag:s4], $0x0  }
0x19: {  	s7 =	sld [smem:$0x3F9B]  }
0x1a: {  	s8 =	sadd.s32 $0xFFFFE003, lr  }
0x1b: {  	s9 =	sadd.s32 $0xFFFFFEF7, lr;
	s5 =	simm.s32 $0xFFFFFFFF;
	p2 =	slt.u32 s8, $0xFFFFF086  }
0x1c: {  	p1 =	slt.u32 s9, $0xF7A;
	s5 =	simm.s32 @!p2 $0x0  }
0x1d: {  	s5 =	simm.s32 @p1 $0x1;
	p0 =	seq.s32 s7, s2  }
0x1e: {  	s7 =	smul.u32 @!p0 $0xF7A, s2;
	p2 =	seq.s32 @!p0 s5, $0x0  }
0x1f: {  	s9 =	smul.u32 $0xF7A, s1;
	s8 =	simm.s32 @!p0 $0x1BF5;
	p2 =	por !p2, p0  }
0x20: {  	[sflag:s8] =	ssyncset.s32 @!p0 $0xFFFFF086;
	s6 =	sadd.s32 @!p0 s3, s7;
	s7 =	simm.s32 @!p0 $0x108  }
0x21: {  	s3 =	sadd.s32 s3, s9;
	s6 =	sadd.s32 @!p0 $0x88, s6;
	s7 =	simm.s32 @p2 $0x1082  }
0x22: {  	[simem:s7], [sflag:s8] =	dma.local @!p0 [hbm:s6], $0xF7A  }
0x23: {  	s9 =	sor.u32 $0xD0000000, s2;
	s6 =	simm.s32 $0x108;
	_ =	swait.ge @!p0 [sflag:s8], $0x0  }
0x24: {  	s3 =	sadd.s32 $0x88, s3;
	s6 =	simm.s32 @!p1 $0x1082;
	[sflag:s4] =	ssyncset.s32 $0xFFFFF086  }
0x25: {  	[simem:s6], [sflag:s4] =	dma.local [hbm:s3], $0xF7A  }
0x26: {  	[smem:$0x3F9B] =	sst s1;
	(tag) =	ssettag s2;
	_ =	strace s9  }
0x27: {  	s1 =	sld [smem:$0x3FAB]  }
0x28: {  	s2 =	sld [smem:$0x3FAC]  }
0x29: {  	s4 =	sld [smem:$0x3FAE]  }
0x2a: {  	p0 =	seq.s32 s5, $0x0;
	s5 =	sld [smem:$0x3FAF]  }
0x2b: {  	s6 =	sld [smem:$0x3FB0]  }
0x2c: {  	s7 =	sld [smem:$0x3FB1]  }
0x2d: {  	s3 =	simm.s32 $0x108;
	s8 =	sld [smem:$0x3FB2]  }
0x2e: {  	s3 =	simm.s32 @!p0 $0x1082;
	s9 =	sld [smem:$0x3FB3]  }
0x2f: {  	lr =	sadd.s32 s0, s3;
	s0 =	sld [smem:$0x3FAA]  }
0x30: {  	s3 =	sld [smem:$0x3FAD]  }
0x31: {  	[smem:$0x3FB6] =	sst s10  }
0x32: {  	s10 =	sld [smem:$0x3FB4];
	_ =	sdelay $0x3  }
0x33: {  	p0 =	seq.s32 s10, $0x1;
	s10 =	sld [smem:$0x3FB6];
	_ =	sdelay $0x3  }
0x34: {  	[smem:$0x3FB6] =	sst s10  }
0x35: {  	s10 =	sld [smem:$0x3FB5];
	_ =	sdelay $0x3  }
0x36: {  	p1 =	seq.s32 s10, $0x1;
	s10 =	sld [smem:$0x3FB6];
	_ =	sdelay $0x3  }
0x37: {  	[smem:$0x3FB6] =	sst s10  }
0x38: {  	s10 =	sld [smem:$0x3FB7]  }
0x39: {  	_ = 	snop;
	(pc) =	sbr.ind lr, $3  }
0x3a: {  	_ = 	snop  }
0x3b: {  	_ = 	snop  }
0x3c: {  	p2 =	seq.s32 s10, $0x1;
	s10 =	sld [smem:$0x3FB6]  }
0x3d: {  	_ =	shalt  }
0x3e: {  	_ =	shalt  }
0x3f: {  	_ =	shalt  }
0x40: {  	_ =	shalt  }
0x41: {  	_ =	shalt  }
0x42: {  	_ =	shalt  }
0x43: {  	_ =	shalt  }
0x44: {  	_ =	shalt  }
0x45: {  	_ =	shalt  }
0x46: {  	_ =	shalt  }
0x47: {  	_ =	shalt  }
0x48: {  	_ =	shalt  }
0x49: {  	_ =	shalt  }
0x4a: {  	_ =	shalt  }
0x4b: {  	_ =	shalt  }
0x4c: {  	_ =	shalt  }
0x4d: {  	_ =	shalt  }
0x4e: {  	_ =	shalt  }
0x4f: {  	_ =	shalt  }
0x50: {  	_ =	shalt  }
0x51: {  	_ =	shalt  }
0x52: {  	_ =	shalt  }
0x53: {  	_ =	shalt  }
0x54: {  	_ =	shalt  }
0x55: {  	_ =	shalt  }
0x56: {  	_ =	shalt  }
0x57: {  	_ =	shalt  }
0x58: {  	_ =	shalt  }
0x59: {  	_ =	shalt  }
0x5a: {  	_ =	shalt  }
0x5b: {  	_ =	shalt  }
0x5c: {  	_ =	shalt  }
0x5d: {  	_ =	shalt  }
0x5e: {  	_ =	shalt  }
0x5f: {  	_ =	shalt  }
0x60: {  	_ =	shalt  }
0x61: {  	_ =	shalt  }
0x62: {  	_ =	shalt  }
0x63: {  	_ =	shalt  }
0x64: {  	_ =	shalt  }
0x65: {  	_ =	shalt  }
0x66: {  	_ =	shalt  }
0x67: {  	_ =	shalt  }
0x68: {  	_ =	shalt  }
0x69: {  	_ =	shalt  }
0x6a: {  	_ =	shalt  }
0x6b: {  	_ =	shalt  }
0x6c: {  	_ =	shalt  }
0x6d: {  	_ =	shalt  }
0x6e: {  	_ =	shalt  }
0x6f: {  	_ =	shalt  }
0x70: {  	_ =	shalt  }
0x71: {  	_ =	shalt  }
0x72: {  	_ =	shalt  }
0x73: {  	_ =	shalt  }
0x74: {  	_ =	shalt  }
0x75: {  	_ =	shalt  }
0x76: {  	_ =	shalt  }
0x77: {  	_ =	shalt  }
0x78: {  	_ =	shalt  }
0x79: {  	_ =	shalt  }
0x7a: {  	_ =	shalt  }
0x7b: {  	_ =	shalt  }
0x7c: {  	_ =	shalt  }
0x7d: {  	_ =	shalt  }
0x7e: {  	_ =	shalt  }
0x7f: {  	_ =	shalt  }
0x80: {  	_ =	shalt  }
0x81: {  	_ =	shalt  }
0x82: {  	_ =	shalt  }
0x83: {  	_ =	shalt  }
0x84: {  	_ =	shalt  }
0x85: {  	_ =	shalt  }
0x86: {  	_ =	shalt  }
0x87: {  	_ =	shalt  }
.Lfunc_end0:
.L_simem_size_0:
called_computation_lowered:
.L_overlay_start_0:
0x88: {  	s2 =	sld [smem:$0x3FD9]  }
0x89: {  	s3 =	sld [smem:$0x3FFE];
	_ =	sdelay $0x1  }
0x8a: {  	s1 =	srdreg.scid  }
0x8b: {  	s0 =	sand.u32 $0x1, s1  }
0x8c: {  	s17 =	sshll.u32 s0, $0xA;
	s2 =	sadd.s32 s3, s2  }
0x8d: {  	s2 =	sadd.s32 s2, s17  }
0x8e: {  	[smem:$0x3FC2] =	sst s2  }
0x8f: {  	_ = 	snop  }
0x90: {  	s2 =	sld [smem:$0x3FC9];
	(tm) =	ssettm $0x1  }
0x91: {  	s18 =	sld [smem:$0x3FFB];
	_ =	sdelay $0x3  }
0x92: {  	_ =	strace s18  }
0x93: {  	s3 =	sld [smem:$0x3FFC];
	_ =	sdelay $0x3  }
0x94: {  	_ =	strace s3  }
0x95: {  	s3 =	sld [smem:$0x3FFD];
	_ =	sdelay $0x3  }
0x96: {  	_ =	strace s3  }
0x97: {  	_ =	strace $0x8FFFFFFF  }
0x98: {  	s19 =	sld [smem:$0x3FDB];
	_ =	sdelay $0x1  }
0x99: {  	s4 =	simm.s32 $_scs_section_size  }
0x9a: {  	s5 =	simm.s32 $_size__tile_overlayer_lowered;
	s6 =	simm.s32 $_tile_overlayer_lowered  }
0x9b: {  	s22 =	simm.s32 $0x1BFF;
	s21 =	sshll.u32 s6, $0x1;
	s3 =	sadd.s32 s4, s19  }
0x9c: {  	s7 =	simm.s32 $0x0;
	s20 =	sshll.u32 s5, $0x1;
	s5 =	sadd.s32 s21, s3  }
0x9d: {  	[timem:s7], [sflag:s22] =	dma.local [hbm:s5], s20  }
0x9e: {  	_ =	swait.ge [sflag:s22], s20  }
0x9f: {  	s4 =	ssub.s32 $0x0, s20;
	[sflag:s22] =	ssyncset.done $0x0  }
0xa0: {  	[sflag:s22] =	ssyncadd.s32 s4;
	_ =	sdelay $0x1  }
0xa1: {  	s23 =	simm.s32 $0x1B8B  }
0xa2: {  	_ =	swait.ge [sflag:s23], $0x1  }
0xa3: {  	[sflag:s23] =	ssyncset.done $0x0  }
0xa4: {  	s25 =	simm.s32 $0x1B8E;
	s24 =	sld [smem:$0x3FFE];
	[sflag:s23] =	ssyncadd.s32 $0xFFFFFFFF  }
0xa5: {  	s26 =	simm.s32 $execute0_lowered;
	[smem:$0x3FD2] =	sst s25  }
0xa6: {  	s5 =	sshll.u32 s26, $0x1;
	_ =	strace $0x80000046;
	[dreg:$0x1] =	wrdreg $0xFFFFFFFF  }
0xa7: {  	s28 =	simm.s32 $_size_execute0_lowered;
	s3 =	sadd.s32 s3, s5;
	[dreg:$0x0] =	wrdreg $0x0  }
0xa8: {  	s5 =	sshll.u32 s28, $0x1;
	[dreg:$0x2] =	wrdreg s3  }
0xa9: {  	[dreg:$0x3] =	wrdreg s5  }
0xaa: {  	[dreg:$0x4] =	wrdreg $0xC0  }
0xab: {  	_ =	task [dreg:s7], $0x5FFFF  }
0xac: {  	[dreg:$0x1] =	wrdreg $0xFFFFFFFF  }
0xad: {  	[dreg:$0x0] =	wrdreg $0x60  }
0xae: {  	[dreg:$0x2] =	wrdreg s24  }
0xaf: {  	[dreg:$0x3] =	wrdreg s2  }
0xb0: {  	[dreg:$0x4] =	wrdreg $0x9  }
0xb1: {  	_ =	task.clear_ibuf [dreg:s7], $0x5FFFF;
	_ =	strace $0x90000046  }
0xb2: {  	s29 =	simm.s32 $0x9;
	_ =	strace $0x80000048  }
0xb3: {  	_ =	swait.ge [sflag:s29], $0x1  }
0xb4: {  	[sflag:s29] =	ssyncadd.s32 $0xFFFFFFFF  }
0xb5: {  	_ =	strace $0x90000048  }
0xb6: {  	_ =	sfence  }
0xb7: {  	s30 =	sld [smem:$0x0];
	_ =	sdelay $0x2  }
0xb8: {  	s31 =	sshll.u32 s1, $0xD;
	s1 =	sshrl.u32 s1, $0x2  }
0xb9: {  	s3 =	sand.u32 $0x4000, s31;
	s1 =	sadd.s32 s1, s30  }
0xba: {  	s0 =	sor.u32 s3, s0;
	s1 =	sshll.u32 s1, $0x11  }
0xbb: {  	s0 =	sor.u32 s1, s0  }
0xbc: {  	s0 =	sadd.s32 $0x8F2B, s0  }
0xbd: {  	[sflag:s0] =	ssyncadd.remote.s32 $0x1  }
0xbe: {  	_ =	sfence.sel $0xFFFF  }
0xbf: {  	[dreg:$0x0] =	wrdreg $0xFFFFFFFF;
	(pc) =	sbr.abs _section_cstart, $3  }
0xc0: {  	[dreg:$0x1] =	wrdreg $0xFFFFFFFF  }
0xc1: {  	_ =	task.clear_ibuf [dreg:s7], $0x2FFFF;
	_ =	strace $0x9FFFFFFF  }
0xc2: {  	(tm) =	ssettm $0x7FFFFFFF  }
0xc3: {  	_ =	shalt  }
tec
execute0_lowered:
.L_overlay_start_1:
0x0: {  	(tag) =	ssettag $0x1  }
0x1: {  	s4 =	rddreg [dreg:$0x0]  }
0x2: {  	s5 =	rddreg [dreg:$0x1]  }
0x3: {  	s0 =	rddreg [dreg:$0x2];
	s3 =	srdreg.scid  }
0x4: {  	s2 =	simm.s32 $0x0;
	s1 =	stileid.u32;
	s3 =	sand.u32 $0x1, s3  }
0x5: {  	[smem:$0x7FF] =	sst s2;
	s6 =	sshll.u32 s1, $0xA;
	s7 =	sshll.u32 s3, $0x9  }
0x6: {  	_ =	strace $0x80000047;
	s30 =	ssub.s32 $0x2, s3;
	s6 =	sor.u32 s7, s6  }
0x7: {  	s3 =	sadd.s32 $0xE00, s4;
	s9 =	sshrl.u32 s30, $0x1;
	s8 =	sshll.u32 s6, $0x4  }
0x8: {  	s7 =	ssub.s32 s30, s9;
	s31 =	sshrl.u32 s6, $0x3;
	s9 =	simm.s32 $0x0  }
0x9: {  	s8 =	sadd.s32 s8, s4;
	s4 =	sadd.s32 s5, s31;
	s6 =	smax.u32 s7, $0x1  }
0xa: {  	vm0 =	vmmov $0xffff;
	s7 =	simm.s32 $0x2;
	s5 =	sadd.s32 $0x3E0E00, s8;
	s8 =	simm.s32 $0x200  }
.LBB2_1:
0xb: {  	[tilespmem:s2], [sflag:$0x2] =	stream.linear.gather [hbm4b:s4+s2], $0x200, $0x38;
	[tilespmem:$0x10200] =	vst v63  }
0xc: {  	_ =	swait.ge [sflag:s7], $0x200  }
0xd: {  	[sflag:s7] =	ssyncset.done $0x0  }
0xe: {  	p0 =	por $0x1, $0x1;
	s11 =	simm.s32 $0x0;
	[sflag:s7] =	ssyncadd.s32 $0xFFFFFE00  }
.LBB2_2:
0xf: {  	s10 =	sshll.u32 s11, $0x8  }
0x10: {  	v0 =	vld [tilespmem:s10+$0x0];
	_ =	sdelay $0x4  }
0x11: {  	v1 =	vshra.s32 v0, $0x2  }
0x12: {  	v0 =	vand.u32 $0x1FFF, v0;
	v1 =	vand.u32 $0xFFFFE000, v1  }
0x13: {  	v0 =	vor.u32 v0, v1;
	_ =	sdelay $0x1  }
0x14: {  	s15 =	sshll.u32 s11, $0xF  }
0x15: {  	s11 =	sand.u32 $0x3FFF8000, s15  }
0x16: {  	s12 =	sor.u32 $0x200, s11  }
0x17: {  	[tilespmem:s12], [sflag:$0x1] =	stream.indirect_vreg.gather [hbm4b:s3+s2], $0x80, v0, vm0, $0xb8;
	[tilespmem:$0x10200] =	vst v63  }
0x18: {  	v0 =	vld [tilespmem:s10+$0x10];
	_ =	sdelay $0x4  }
0x19: {  	v49 =	vshra.s32 v0, $0x2  }
0x1a: {  	v0 =	vand.u32 $0x1FFF, v0;
	v1 =	vand.u32 $0xFFFFE000, v49  }
0x1b: {  	v0 =	vor.u32 v0, v1;
	_ =	sdelay $0x3  }
0x1c: {  	s16 =	sor.u32 $0xA00, s11  }
0x1d: {  	[tilespmem:s16], [sflag:$0x1] =	stream.indirect_vreg.gather [hbm4b:s3+s2], $0x80, v0, vm0, $0xb8;
	[tilespmem:$0x10200] =	vst v63  }
0x1e: {  	v0 =	vld [tilespmem:s10+$0x20];
	_ =	sdelay $0x4  }
0x1f: {  	v50 =	vshra.s32 v0, $0x2  }
0x20: {  	v0 =	vand.u32 $0x1FFF, v0;
	v1 =	vand.u32 $0xFFFFE000, v50  }
0x21: {  	v0 =	vor.u32 v0, v1;
	_ =	sdelay $0x3  }
0x22: {  	s17 =	sor.u32 $0x1200, s11  }
0x23: {  	[tilespmem:s17], [sflag:$0x1] =	stream.indirect_vreg.gather [hbm4b:s3+s2], $0x80, v0, vm0, $0xb8;
	[tilespmem:$0x10200] =	vst v63  }
0x24: {  	v0 =	vld [tilespmem:s10+$0x30];
	_ =	sdelay $0x4  }
0x25: {  	v51 =	vshra.s32 v0, $0x2  }
0x26: {  	v0 =	vand.u32 $0x1FFF, v0;
	v1 =	vand.u32 $0xFFFFE000, v51  }
0x27: {  	v0 =	vor.u32 v0, v1;
	_ =	sdelay $0x3  }
0x28: {  	s18 =	sor.u32 $0x1A00, s11  }
0x29: {  	[tilespmem:s18], [sflag:$0x1] =	stream.indirect_vreg.gather [hbm4b:s3+s2], $0x80, v0, vm0, $0xb8;
	[tilespmem:$0x10200] =	vst v63  }
0x2a: {  	v0 =	vld [tilespmem:s10+$0x40];
	_ =	sdelay $0x4  }
0x2b: {  	v52 =	vshra.s32 v0, $0x2  }
0x2c: {  	v0 =	vand.u32 $0x1FFF, v0;
	v1 =	vand.u32 $0xFFFFE000, v52  }
0x2d: {  	v0 =	vor.u32 v0, v1;
	_ =	sdelay $0x3  }
0x2e: {  	s19 =	sor.u32 $0x2200, s11  }
0x2f: {  	[tilespmem:s19], [sflag:$0x1] =	stream.indirect_vreg.gather [hbm4b:s3+s2], $0x80, v0, vm0, $0xb8;
	[tilespmem:$0x10200] =	vst v63  }
0x30: {  	v0 =	vld [tilespmem:s10+$0x50];
	_ =	sdelay $0x4  }
0x31: {  	v53 =	vshra.s32 v0, $0x2  }
0x32: {  	v0 =	vand.u32 $0x1FFF, v0;
	v1 =	vand.u32 $0xFFFFE000, v53  }
0x33: {  	v0 =	vor.u32 v0, v1;
	_ =	sdelay $0x3  }
0x34: {  	s20 =	sor.u32 $0x2A00, s11  }
0x35: {  	[tilespmem:s20], [sflag:$0x1] =	stream.indirect_vreg.gather [hbm4b:s3+s2], $0x80, v0, vm0, $0xb8;
	[tilespmem:$0x10200] =	vst v63  }
0x36: {  	v0 =	vld [tilespmem:s10+$0x60];
	_ =	sdelay $0x4  }
0x37: {  	v54 =	vshra.s32 v0, $0x2  }
0x38: {  	v0 =	vand.u32 $0x1FFF, v0;
	v1 =	vand.u32 $0xFFFFE000, v54  }
0x39: {  	v0 =	vor.u32 v0, v1;
	_ =	sdelay $0x3  }
0x3a: {  	s21 =	sor.u32 $0x3200, s11  }
0x3b: {  	[tilespmem:s21], [sflag:$0x1] =	stream.indirect_vreg.gather [hbm4b:s3+s2], $0x80, v0, vm0, $0xb8;
	[tilespmem:$0x10200] =	vst v63  }
0x3c: {  	v0 =	vld [tilespmem:s10+$0x70];
	_ =	sdelay $0x4  }
0x3d: {  	v55 =	vshra.s32 v0, $0x2  }
0x3e: {  	v0 =	vand.u32 $0x1FFF, v0;
	v1 =	vand.u32 $0xFFFFE000, v55  }
0x3f: {  	v0 =	vor.u32 v0, v1;
	_ =	sdelay $0x3  }
0x40: {  	s22 =	sor.u32 $0x3A00, s11  }
0x41: {  	[tilespmem:s22], [sflag:$0x1] =	stream.indirect_vreg.gather [hbm4b:s3+s2], $0x80, v0, vm0, $0xb8;
	[tilespmem:$0x10200] =	vst v63  }
0x42: {  	v0 =	vld [tilespmem:s10+$0x80];
	_ =	sdelay $0x4  }
0x43: {  	v56 =	vshra.s32 v0, $0x2  }
0x44: {  	v0 =	vand.u32 $0x1FFF, v0;
	v1 =	vand.u32 $0xFFFFE000, v56  }
0x45: {  	v0 =	vor.u32 v0, v1  }
0x46: {  	s23 =	sor.u32 $0x80, s10  }
0x47: {  	s12 =	sshll.u32 s23, $0x7  }
0x48: {  	s12 =	sand.u32 $0x3FFFC000, s12  }
0x49: {  	s12 =	sor.u32 $0x200, s12  }
0x4a: {  	[tilespmem:s12], [sflag:$0x1] =	stream.indirect_vreg.gather [hbm4b:s3+s2], $0x80, v0, vm0, $0xb8;
	[tilespmem:$0x10200] =	vst v63  }
0x4b: {  	v0 =	vld [tilespmem:s10+$0x90];
	_ =	sdelay $0x4  }
0x4c: {  	v57 =	vshra.s32 v0, $0x2  }
0x4d: {  	v0 =	vand.u32 $0x1FFF, v0;
	v1 =	vand.u32 $0xFFFFE000, v57  }
0x4e: {  	v0 =	vor.u32 v0, v1;
	_ =	sdelay $0x3  }
0x4f: {  	s24 =	sor.u32 $0x4A00, s11  }
0x50: {  	[tilespmem:s24], [sflag:$0x1] =	stream.indirect_vreg.gather [hbm4b:s3+s2], $0x80, v0, vm0, $0xb8;
	[tilespmem:$0x10200] =	vst v63  }
0x51: {  	v0 =	vld [tilespmem:s10+$0xA0];
	_ =	sdelay $0x4  }
0x52: {  	v58 =	vshra.s32 v0, $0x2  }
0x53: {  	v0 =	vand.u32 $0x1FFF, v0;
	v1 =	vand.u32 $0xFFFFE000, v58  }
0x54: {  	v0 =	vor.u32 v0, v1;
	_ =	sdelay $0x3  }
0x55: {  	s25 =	sor.u32 $0x5200, s11  }
0x56: {  	[tilespmem:s25], [sflag:$0x1] =	stream.indirect_vreg.gather [hbm4b:s3+s2], $0x80, v0, vm0, $0xb8;
	[tilespmem:$0x10200] =	vst v63  }
0x57: {  	v0 =	vld [tilespmem:s10+$0xB0];
	_ =	sdelay $0x4  }
0x58: {  	v59 =	vshra.s32 v0, $0x2  }
0x59: {  	v0 =	vand.u32 $0x1FFF, v0;
	v1 =	vand.u32 $0xFFFFE000, v59  }
0x5a: {  	v0 =	vor.u32 v0, v1;
	_ =	sdelay $0x3  }
0x5b: {  	s26 =	sor.u32 $0x5A00, s11  }
0x5c: {  	[tilespmem:s26], [sflag:$0x1] =	stream.indirect_vreg.gather [hbm4b:s3+s2], $0x80, v0, vm0, $0xb8;
	[tilespmem:$0x10200] =	vst v63  }
0x5d: {  	v0 =	vld [tilespmem:s10+$0xC0];
	_ =	sdelay $0x4  }
0x5e: {  	v60 =	vshra.s32 v0, $0x2  }
0x5f: {  	v0 =	vand.u32 $0x1FFF, v0;
	v1 =	vand.u32 $0xFFFFE000, v60  }
0x60: {  	v0 =	vor.u32 v0, v1;
	_ =	sdelay $0x3  }
0x61: {  	s28 =	sor.u32 $0x6200, s11  }
0x62: {  	[tilespmem:s28], [sflag:$0x1] =	stream.indirect_vreg.gather [hbm4b:s3+s2], $0x80, v0, vm0, $0xb8;
	[tilespmem:$0x10200] =	vst v63  }
0x63: {  	v0 =	vld [tilespmem:s10+$0xD0];
	_ =	sdelay $0x4  }
0x64: {  	v61 =	vshra.s32 v0, $0x2  }
0x65: {  	v0 =	vand.u32 $0x1FFF, v0;
	v1 =	vand.u32 $0xFFFFE000, v61  }
0x66: {  	v0 =	vor.u32 v0, v1;
	_ =	sdelay $0x3  }
0x67: {  	s29 =	sor.u32 $0x6A00, s11  }
0x68: {  	[tilespmem:s29], [sflag:$0x1] =	stream.indirect_vreg.gather [hbm4b:s3+s2], $0x80, v0, vm0, $0xb8;
	[tilespmem:$0x10200] =	vst v63  }
0x69: {  	v0 =	vld [tilespmem:s10+$0xE0];
	_ =	sdelay $0x4  }
0x6a: {  	v62 =	vshra.s32 v0, $0x2  }
0x6b: {  	v0 =	vand.u32 $0x1FFF, v0;
	v1 =	vand.u32 $0xFFFFE000, v62  }
0x6c: {  	v0 =	vor.u32 v0, v1;
	_ =	sdelay $0x3  }
0x6d: {  	s30 =	sor.u32 $0x7200, s11  }
0x6e: {  	[tilespmem:s30], [sflag:$0x1] =	stream.indirect_vreg.gather [hbm4b:s3+s2], $0x80, v0, vm0, $0xb8;
	[tilespmem:$0x10200] =	vst v63  }
0x6f: {  	v0 =	vld [tilespmem:s10+$0xF0];
	_ =	sdelay $0x4  }
0x70: {  	v63 =	vshra.s32 v0, $0x2  }
0x71: {  	v0 =	vand.u32 $0x1FFF, v0;
	v1 =	vand.u32 $0xFFFFE000, v63  }
0x72: {  	v0 =	vor.u32 v0, v1;
	_ =	sdelay $0x3  }
0x73: {  	s31 =	sor.u32 $0x7A00, s11;
	s11 =	simm.s32 $0x1  }
0x74: {  	[tilespmem:s31], [sflag:$0x1] =	stream.indirect_vreg.gather [hbm4b:s3+s2], $0x80, v0, vm0, $0xb8;
	[tilespmem:$0x10200] =	vst v63  }
0x75: {  	_ =	swait.ge [sflag:s11], $0x800  }
0x76: {  	[sflag:s11] =	ssyncset.done $0x0  }
0x77: {  	[sflag:s11] =	ssyncadd.s32 $0xFFFFF800  }
0x78: {  	_ =	swait.ge [sflag:s11], $0x800  }
0x79: {  	[sflag:s11] =	ssyncset.done $0x0  }
0x7a: {  	[sflag:s11] =	ssyncadd.s32 $0xFFFFF800  }
0x7b: {  	_ =	swait.ge [sflag:s11], $0x800  }
0x7c: {  	[sflag:s11] =	ssyncset.done $0x0  }
0x7d: {  	[sflag:s11] =	ssyncadd.s32 $0xFFFFF800  }
0x7e: {  	_ =	swait.ge [sflag:s11], $0x800  }
0x7f: {  	[sflag:s11] =	ssyncset.done $0x0  }
0x80: {  	[sflag:s11] =	ssyncadd.s32 $0xFFFFF800  }
0x81: {  	_ =	swait.ge [sflag:s11], $0x800  }
0x82: {  	[sflag:s11] =	ssyncset.done $0x0  }
0x83: {  	[sflag:s11] =	ssyncadd.s32 $0xFFFFF800  }
0x84: {  	_ =	swait.ge [sflag:s11], $0x800  }
0x85: {  	[sflag:s11] =	ssyncset.done $0x0  }
0x86: {  	[sflag:s11] =	ssyncadd.s32 $0xFFFFF800  }
0x87: {  	_ =	swait.ge [sflag:s11], $0x800  }
0x88: {  	[sflag:s11] =	ssyncset.done $0x0  }
0x89: {  	[sflag:s11] =	ssyncadd.s32 $0xFFFFF800  }
0x8a: {  	_ =	swait.ge [sflag:s11], $0x800  }
0x8b: {  	[sflag:s11] =	ssyncset.done $0x0  }
0x8c: {  	[sflag:s11] =	ssyncadd.s32 $0xFFFFF800  }
0x8d: {  	_ =	swait.ge [sflag:s11], $0x800  }
0x8e: {  	[sflag:s11] =	ssyncset.done $0x0  }
0x8f: {  	[sflag:s11] =	ssyncadd.s32 $0xFFFFF800  }
0x90: {  	_ =	swait.ge [sflag:s11], $0x800  }
0x91: {  	[sflag:s11] =	ssyncset.done $0x0  }
0x92: {  	[sflag:s11] =	ssyncadd.s32 $0xFFFFF800  }
0x93: {  	_ =	swait.ge [sflag:s11], $0x800  }
0x94: {  	[sflag:s11] =	ssyncset.done $0x0  }
0x95: {  	[sflag:s11] =	ssyncadd.s32 $0xFFFFF800  }
0x96: {  	_ =	swait.ge [sflag:s11], $0x800  }
0x97: {  	[sflag:s11] =	ssyncset.done $0x0  }
0x98: {  	[sflag:s11] =	ssyncadd.s32 $0xFFFFF800  }
0x99: {  	_ =	swait.ge [sflag:s11], $0x800  }
0x9a: {  	[sflag:s11] =	ssyncset.done $0x0  }
0x9b: {  	[sflag:s11] =	ssyncadd.s32 $0xFFFFF800  }
0x9c: {  	_ =	swait.ge [sflag:s11], $0x800  }
0x9d: {  	[sflag:s11] =	ssyncset.done $0x0  }
0x9e: {  	[sflag:s11] =	ssyncadd.s32 $0xFFFFF800  }
0x9f: {  	p1 =	por p0, p0;
	_ =	swait.ge [sflag:s11], $0x800  }
.Ltmp0:
0xa0: {  	[sflag:s11] =	ssyncset.done $0x0;
	(pc) =	sbr.rel @p1 .LBB2_2-.Ltmp0, $4  }
0xa1: {  	[sflag:s11] =	ssyncadd.s32 $0xFFFFF800  }
0xa2: {  	_ =	swait.ge [sflag:s11], $0x800  }
0xa3: {  	[sflag:s11] =	ssyncset.done $0x0  }
0xa4: {  	p0 =	por $0x0, $0x0;
	[sflag:s11] =	ssyncadd.s32 $0xFFFFF800  }
0xa5: {  	s9 =	sadd.s32 $0x1, s9  }
0xa6: {  	p0 =	sne.s32 s9, s6  }
.Ltmp1:
0xa7: {  	_ = 	snop;
	(pc) =	sbr.rel @p0 .LBB2_1-.Ltmp1, $4  }
0xa8: {  	[hbm4b:s5+s2] =	stream.linear.scatter [tilespmem:s8], [sflag:$0x2], $0x10000, $0x38;
	[tilespmem:$0x10200] =	vst v63  }
0xa9: {  	_ =	swait.ge [sflag:s7], $0x10000  }
0xaa: {  	[sflag:s7] =	ssyncset.done $0x0  }
0xab: {  	[sflag:s7] =	ssyncadd.s32 $0xFFFF0000  }
0xac: {  	_ =	sfence.sel $0x180000  }
0xad: {  	[bflag:$0x0] =	sbarrier.arrive $0xFFFF  }
0xae: {  	p0 =	sne.s32 s1, $0x0;
	_ =	strace $0x90000047  }
0xaf: {  	s0 =	sadd.s32 @!p0 $0x100000, s0;
	[bflag:$0x2] =	sbarrier.arrive $0xFFFF  }
0xb0: {  	[sflag:s0] =	ssyncadd.tile.s32 @!p0 $0x1;
	_ =	shalt  }
.Lfunc_end2:
_tile_overlayer_lowered:
.L_overlay_start_2:
0xb1: {  	(tag) =	ssettag $0x2  }
0xb2: {  	s0 =	rddreg [dreg:$0x0];
	s2 =	stileid.u32  }
0xb3: {  	s1 =	rddreg [dreg:$0x1];
	p0 =	sne.s32 s2, $0x0  }
0xb4: {  	s3 =	rddreg [dreg:$0x2];
	[bflag:$0x3] =	sbarrier.arrive $0xFFFF;
	s2 =	simm.s32 @!p0 $0x1C02  }
0xb5: {  	[timem:s3], [sflag:s2] =	dma.local @!p0 [hbm:s0], s1  }
0xb6: {  	s0 =	simm.s32 @!p0 $0x2  }
0xb7: {  	_ =	swait.ge @!p0 [sflag:s0], s1  }
0xb8: {  	s1 =	ssub.s32 @!p0 $0x0, s1;
	[sflag:s0] =	ssyncset.done @!p0 $0x0  }
0xb9: {  	[sflag:s0] =	ssyncadd.s32 @!p0 s1  }
0xba: {  	[bflag:$0x3] =	sbarrier.arrive $0xFFFF  }
0xbb: {  	_ =	shalt  }

</sc_bundles>
